<compile_context>
chip_gen: v7x
topology: tpu7x:2x2x1
jax: 0.10.2.dev20260603
libtpu: 0.0.44.dev20260713+nightly
codegen_flags: <defaults>
</compile_context>

<pallas_src>
import functools

import jax
import jax.numpy as jnp
from jax import lax
from jax.experimental import pallas as pl
from jax.experimental.pallas import tpu as pltpu
from jax.experimental.pallas import tpu_sc as plsc

_FIELD_DIM = 38462
_F = 26
_B = 16384
_NC = 2
_NS = 16
_NW = _NC * _NS
_BW = _B // _NW
_L = 16
_CHUNK = 512
_QPF = _BW // _CHUNK

_TOT_PAD = 1000064
_FH = _F // 2
_PH = 500096
_P1B = 499968
_PS = 31232
_PS_LAST = _PH - (_NS - 1) * _PS

_mesh = plsc.VectorSubcoreMesh(core_axis_name="c", subcore_axis_name="s")


@functools.partial(
    pl.kernel,
    mesh=_mesh,
    compiler_params=pltpu.CompilerParams(needs_layout_passes=False),
    out_type=jax.ShapeDtypeStruct((_B,), jnp.float32),
    scratch_types=[
        pltpu.VMEM((_F, _BW), jnp.int32),
        pltpu.VMEM((_F * _BW,), jnp.int32),
        pltpu.VMEM((_F * _BW,), jnp.float32),
        pltpu.VMEM((_BW,), jnp.float32),
        pltpu.VMEM((_L,), jnp.float32),
        pltpu.VMEM_SHARED((_TOT_PAD,), jnp.float32),
        pltpu.SemaphoreType.DMA,
        pltpu.SemaphoreType.DMA,
        pltpu.SemaphoreType.DMA,
        pltpu.SemaphoreType.DMA,
    ],
)
def _embed_sum(
    xT, wt, bias, out, xb_v, idx_v, g_v, o_v, bias_v, tb_s, sem, sem2, sem3, sem4
):
    c = lax.axis_index("c")
    s = lax.axis_index("s")
    wid = s * _NC + c
    base = wid * _BW

    def stage(phase_base, sem_p, start):
        off = pl.multiple_of(phase_base + s * _PS, 128)
        off_l = pl.multiple_of(phase_base + (_NS - 1) * _PS, 128)

        @pl.when(s < _NS - 1)
        def _():
            cp = pltpu.make_async_copy(
                wt.at[0, pl.ds(off, _PS)], tb_s.at[pl.ds(off, _PS)], sem_p
            )
            cp.start() if start else cp.wait()

        @pl.when(s == _NS - 1)
        def _():
            cp = pltpu.make_async_copy(
                wt.at[0, pl.ds(off_l, _PS_LAST)],
                tb_s.at[pl.ds(off_l, _PS_LAST)],
                sem_p,
            )
            cp.start() if start else cp.wait()

    stage(0, sem2, True)
    stage(_P1B, sem4, True)

    pltpu.sync_copy(bias.at[pl.ds(0, 1)], bias_v.at[pl.ds(0, 1)])
    pltpu.sync_copy(xT.at[:, pl.ds(base, _BW)], xb_v)

    def build_fire_field(f, sem_f):
        off = f * _FIELD_DIM

        def build(j, _):
            for u in range(8):
                o = (j * 8 + u) * _L
                idx_v[pl.ds(f * _BW + o, _L)] = xb_v[f, pl.ds(o, _L)] + off
            return 0

        lax.fori_loop(0, _BW // (_L * 8), build, 0)

        def fire(q, _):
            qs = pl.ds(f * _BW + q * _CHUNK, _CHUNK)
            pltpu.make_async_copy(tb_s.at[idx_v.at[qs]], g_v.at[qs], sem_f).start()
            return 0

        lax.fori_loop(0, _QPF, fire, 0)
        return 0

    def build_only(f, _):
        off = f * _FIELD_DIM

        def build(j, _):
            for u in range(8):
                o = (j * 8 + u) * _L
                idx_v[pl.ds(f * _BW + o, _L)] = xb_v[f, pl.ds(o, _L)] + off
            return 0

        lax.fori_loop(0, _BW // (_L * 8), build, 0)
        return 0

    lax.fori_loop(0, 4, build_only, 0)

    stage(0, sem2, False)
    plsc.subcore_barrier()

    def fire_only(f, _):
        def fire(q, _):
            qs = pl.ds(f * _BW + q * _CHUNK, _CHUNK)
            pltpu.make_async_copy(tb_s.at[idx_v.at[qs]], g_v.at[qs], sem).start()
            return 0

        lax.fori_loop(0, _QPF, fire, 0)
        return 0

    lax.fori_loop(0, 4, fire_only, 0)
    lax.fori_loop(4, _FH, lambda f, _: build_fire_field(f, sem), 0)

    stage(_P1B, sem4, False)
    plsc.subcore_barrier()
    lax.fori_loop(_FH, _F, lambda f, _: build_fire_field(f, sem3), 0)

    bias_s = bias_v[pl.ds(0, _L)][0]

    halfA = pl.ds(0, _FH * _BW)
    pltpu.make_async_copy(wt.at[0, halfA], g_v.at[halfA], sem).wait()

    def reduceA(j, _):
        acc = jnp.zeros((_L,), jnp.float32) + bias_s
        for f in range(_FH):
            acc = acc + g_v[pl.ds(f * _BW + j * _L, _L)]
        o_v[pl.ds(j * _L, _L)] = acc
        return 0

    lax.fori_loop(0, _BW // _L, reduceA, 0)

    halfB = pl.ds(0, (_F - _FH) * _BW)
    pltpu.make_async_copy(wt.at[0, halfB], g_v.at[halfB], sem3).wait()

    def reduceB(j, _):
        acc = o_v[pl.ds(j * _L, _L)]
        for f in range(_FH, _F):
            acc = acc + g_v[pl.ds(f * _BW + j * _L, _L)]
        o_v[pl.ds(j * _L, _L)] = acc
        return 0

    lax.fori_loop(0, _BW // _L, reduceB, 0)

    pltpu.sync_copy(o_v, out.at[pl.ds(base, _BW)])


def kernel(x, fc_weight, bias):
    y = _embed_sum(x.T, fc_weight.T, bias)
    return y.reshape(_B, 1)

# --- scband reference (transcript-rebuilt; emitter-appended) ---
"""Pipeline reference for scband-features-linear-33363305956010 (READ-ONLY COPY).

The authoritative reference and input builder live on the scoring server;
editing this copy changes nothing except your own understanding.
"""

import jax, jax.numpy as jnp
import numpy as np

FIELD_DIMS = [38462] * 26
TOTAL = sum(FIELD_DIMS)
B = 16384
NUM_FIELDS = 26


def setup_inputs(seed: int = 0) -> dict:
    key = jax.random.key(seed)
    k1, k2 = jax.random.split(key)
    # indices per field: values in [0, min field dim) so every field index is in-range
    x = jax.random.randint(k1, (B, NUM_FIELDS), 0, 38462, dtype=jnp.int32)
    # xavier uniform init for Embedding(sum(field_dims), 1)
    fan_in, fan_out = TOTAL, 1
    bound = float(np.sqrt(6.0 / (fan_in + fan_out)))
    fc_weight = jax.random.uniform(k2, (TOTAL, 1), minval=-bound, maxval=bound, dtype=jnp.float32)
    bias = jnp.zeros((1,), dtype=jnp.float32)
    return {"x": x, "fc_weight": fc_weight, "bias": bias}


def reference(x, fc_weight, bias):
    offsets = jnp.asarray(np.array((0, *np.cumsum(FIELD_DIMS)[:-1]), dtype=np.int32))
    idx = x + offsets[None, :]                      # [B, F]
    emb = jnp.take(fc_weight, idx, axis=0)          # [B, F, 1] gather
    y = jnp.sum(emb, axis=1) + bias                 # [B, 1]
    return y

if __name__ == "__main__":
    import jax
    _d = setup_inputs()
    print(jax.jit(kernel)(*tuple(_d.values())))

</pallas_src>

<mosaic_0001>
#map = affine_map<(d0, d1) -> (0, 0)>
#map1 = affine_map<(d0, d1) -> (0)>
module attributes {stable_mosaic.version = 14 : i64} {
  func.func @_embed_sum(%arg0: i32, %arg1: i32, %arg2: memref<26x16384xi32, #tpu.memory_space<hbm>>, %arg3: memref<1x1000012xf32, #tpu.memory_space<hbm>>, %arg4: memref<1xf32, #tpu.memory_space<hbm>>, %arg5: memref<16384xf32, #tpu.memory_space<hbm>>, %arg6: memref<26x512xi32, #tpu.memory_space<vmem>>, %arg7: memref<13312xi32, #tpu.memory_space<vmem>>, %arg8: memref<13312xf32, #tpu.memory_space<vmem>>, %arg9: memref<512xf32, #tpu.memory_space<vmem>>, %arg10: memref<16xf32, #tpu.memory_space<vmem>>, %arg11: memref<1000064xf32, #tpu.memory_space<vmem_shared>>, %arg12: memref<!tpu.dma_semaphore, #tpu.memory_space<semaphore_mem>>, %arg13: memref<!tpu.dma_semaphore, #tpu.memory_space<semaphore_mem>>, %arg14: memref<!tpu.dma_semaphore, #tpu.memory_space<semaphore_mem>>, %arg15: memref<!tpu.dma_semaphore, #tpu.memory_space<semaphore_mem>>) attributes {dimension_semantics = [#tpu.dimension_semantics<core_parallel>, #tpu.dimension_semantics<subcore_parallel>], iteration_bounds = array<i64: 2, 16>, scalar_prefetch = 0 : i64, scratch_operands = 10 : i64, tpu.core_type = #tpu.core_type<sc_vector_subcore>, window_params = [{transform_indices = #map}, {transform_indices = #map}, {transform_indices = #map1}, {transform_indices = #map1}]} {
    %mul3A = arith.constant 2 : i32
    %mul3A_0 = arith.muli %arg1, %mul3A : i32
    %add3A = arith.addi %mul3A_0, %arg0 : i32
    %mul3A_1 = arith.constant 512 : i32
    %mul3A_2 = arith.muli %add3A, %mul3A_1 : i32
    %mul3A_3 = arith.constant 31232 : i32
    %mul3A_4 = arith.muli %arg1, %mul3A_3 : i32
    %add3A_5 = arith.constant 0 : i32
    %add3A_6 = arith.addi %add3A_5, %mul3A_4 : i32
    %multiple_of3A = tpu.assume_multiple %add3A_6, 128 : i32
    %multiple_of3A_7 = arith.constant 468480 : i32
    %multiple_of3A_8 = tpu.assume_multiple %multiple_of3A_7, 128 : i32
    %lt3A = arith.constant 15 : i32
    %lt3A_9 = arith.cmpi slt, %arg1, %lt3A : i32
    %convert_element_type3A = arith.extui %lt3A_9 : i1 to i32
    %cond3A = arith.constant 0 : i32
    %cond3A_10 = arith.cmpi ne, %convert_element_type3A, %cond3A : i32
    scf.if %cond3A_10 {
      %dma_start3A = arith.constant 0 : i32
      %dma_start3A_130 = tpu.memref_slice %arg11[%multiple_of3A] : memref<1000064xf32, #tpu.memory_space<vmem_shared>> -> memref<31232xf32, #tpu.memory_space<vmem_shared>>
      %dma_start3A_131 = tpu.memref_slice %arg3[%dma_start3A, %multiple_of3A] : memref<1x1000012xf32, #tpu.memory_space<hbm>> -> memref<1x31232xf32, #tpu.memory_space<hbm>>
      %dma_start3A_132 = tpu.memref_squeeze %dma_start3A_131 : memref<1x31232xf32, #tpu.memory_space<hbm>> -> memref<31232xf32, #tpu.memory_space<hbm>>
      tpu.enqueue_dma source(%dma_start3A_132 : memref<31232xf32, #tpu.memory_space<hbm>>) target(%dma_start3A_130 : memref<31232xf32, #tpu.memory_space<vmem_shared>>) target_semaphore(%arg13 : memref<!tpu.dma_semaphore, #tpu.memory_space<semaphore_mem>>)
    } else {
    }
    %eq3A = arith.constant 15 : i32
    %eq3A_11 = arith.cmpi eq, %arg1, %eq3A : i32
    %convert_element_type3A_12 = arith.extui %eq3A_11 : i1 to i32
    %cond3A_13 = arith.constant 0 : i32
    %cond3A_14 = arith.cmpi ne, %convert_element_type3A_12, %cond3A_13 : i32
    scf.if %cond3A_14 {
      %dma_start3A = arith.constant 0 : i32
      %dma_start3A_130 = tpu.memref_slice %arg11[%multiple_of3A_8] : memref<1000064xf32, #tpu.memory_space<vmem_shared>> -> memref<31616xf32, #tpu.memory_space<vmem_shared>>
      %dma_start3A_131 = tpu.memref_slice %arg3[%dma_start3A, %multiple_of3A_8] : memref<1x1000012xf32, #tpu.memory_space<hbm>> -> memref<1x31616xf32, #tpu.memory_space<hbm>>
      %dma_start3A_132 = tpu.memref_squeeze %dma_start3A_131 : memref<1x31616xf32, #tpu.memory_space<hbm>> -> memref<31616xf32, #tpu.memory_space<hbm>>
      tpu.enqueue_dma source(%dma_start3A_132 : memref<31616xf32, #tpu.memory_space<hbm>>) target(%dma_start3A_130 : memref<31616xf32, #tpu.memory_space<vmem_shared>>) target_semaphore(%arg13 : memref<!tpu.dma_semaphore, #tpu.memory_space<semaphore_mem>>)
    } else {
    }
    %mul3A_15 = arith.constant 31232 : i32
    %mul3A_16 = arith.muli %arg1, %mul3A_15 : i32
    %add3A_17 = arith.constant 499968 : i32
    %add3A_18 = arith.addi %add3A_17, %mul3A_16 : i32
    %multiple_of3A_19 = tpu.assume_multiple %add3A_18, 128 : i32
    %multiple_of3A_20 = arith.constant 968448 : i32
    %multiple_of3A_21 = tpu.assume_multiple %multiple_of3A_20, 128 : i32
    %lt3A_22 = arith.constant 15 : i32
    %lt3A_23 = arith.cmpi slt, %arg1, %lt3A_22 : i32
    %convert_element_type3A_24 = arith.extui %lt3A_23 : i1 to i32
    %cond3A_25 = arith.constant 0 : i32
    %cond3A_26 = arith.cmpi ne, %convert_element_type3A_24, %cond3A_25 : i32
    scf.if %cond3A_26 {
      %dma_start3A = arith.constant 0 : i32
      %dma_start3A_130 = tpu.memref_slice %arg11[%multiple_of3A_19] : memref<1000064xf32, #tpu.memory_space<vmem_shared>> -> memref<31232xf32, #tpu.memory_space<vmem_shared>>
      %dma_start3A_131 = tpu.memref_slice %arg3[%dma_start3A, %multiple_of3A_19] : memref<1x1000012xf32, #tpu.memory_space<hbm>> -> memref<1x31232xf32, #tpu.memory_space<hbm>>
      %dma_start3A_132 = tpu.memref_squeeze %dma_start3A_131 : memref<1x31232xf32, #tpu.memory_space<hbm>> -> memref<31232xf32, #tpu.memory_space<hbm>>
      tpu.enqueue_dma source(%dma_start3A_132 : memref<31232xf32, #tpu.memory_space<hbm>>) target(%dma_start3A_130 : memref<31232xf32, #tpu.memory_space<vmem_shared>>) target_semaphore(%arg15 : memref<!tpu.dma_semaphore, #tpu.memory_space<semaphore_mem>>)
    } else {
    }
    %eq3A_27 = arith.constant 15 : i32
    %eq3A_28 = arith.cmpi eq, %arg1, %eq3A_27 : i32
    %convert_element_type3A_29 = arith.extui %eq3A_28 : i1 to i32
    %cond3A_30 = arith.constant 0 : i32
    %cond3A_31 = arith.cmpi ne, %convert_element_type3A_29, %cond3A_30 : i32
    scf.if %cond3A_31 {
      %dma_start3A = arith.constant 0 : i32
      %dma_start3A_130 = tpu.memref_slice %arg11[%multiple_of3A_21] : memref<1000064xf32, #tpu.memory_space<vmem_shared>> -> memref<31616xf32, #tpu.memory_space<vmem_shared>>
      %dma_start3A_131 = tpu.memref_slice %arg3[%dma_start3A, %multiple_of3A_21] : memref<1x1000012xf32, #tpu.memory_space<hbm>> -> memref<1x31616xf32, #tpu.memory_space<hbm>>
      %dma_start3A_132 = tpu.memref_squeeze %dma_start3A_131 : memref<1x31616xf32, #tpu.memory_space<hbm>> -> memref<31616xf32, #tpu.memory_space<hbm>>
      tpu.enqueue_dma source(%dma_start3A_132 : memref<31616xf32, #tpu.memory_space<hbm>>) target(%dma_start3A_130 : memref<31616xf32, #tpu.memory_space<vmem_shared>>) target_semaphore(%arg15 : memref<!tpu.dma_semaphore, #tpu.memory_space<semaphore_mem>>)
    } else {
    }
    "tpu.region"() ({
      %run_scoped3A = tpu.sem_alloc : memref<!tpu.dma_semaphore, #tpu.memory_space<semaphore_mem>>
      %dma_start3A = arith.constant 0 : i32
      %dma_start3A_130 = tpu.memref_slice %arg10[%dma_start3A] : memref<16xf32, #tpu.memory_space<vmem>> -> memref<1xf32, #tpu.memory_space<vmem>>
      %dma_start3A_131 = arith.constant 0 : i32
      %dma_start3A_132 = tpu.memref_slice %arg4[%dma_start3A_131] : memref<1xf32, #tpu.memory_space<hbm>> -> memref<1xf32, #tpu.memory_space<hbm>>
      %dma_start3A_133 = arith.constant 0 : i32
      %dma_start3A_134 = tpu.memref_slice %arg10[%dma_start3A_133] : memref<16xf32, #tpu.memory_space<vmem>> -> memref<1xf32, #tpu.memory_space<vmem>>
      %dma_start3A_135 = arith.constant 0 : i32
      %dma_start3A_136 = tpu.memref_slice %arg4[%dma_start3A_135] : memref<1xf32, #tpu.memory_space<hbm>> -> memref<1xf32, #tpu.memory_space<hbm>>
      tpu.enqueue_dma source(%dma_start3A_136 : memref<1xf32, #tpu.memory_space<hbm>>) target(%dma_start3A_134 : memref<1xf32, #tpu.memory_space<vmem>>) target_semaphore(%run_scoped3A : memref<!tpu.dma_semaphore, #tpu.memory_space<semaphore_mem>>)
      %dma_wait3A_137 = arith.constant 0 : i32
      %dma_wait3A_138 = tpu.memref_slice %arg10[%dma_wait3A_137] : memref<16xf32, #tpu.memory_space<vmem>> -> memref<1xf32, #tpu.memory_space<vmem>>
      %dma_wait3A_139 = arith.constant 0 : i32
      %dma_wait3A_140 = tpu.memref_slice %arg4[%dma_wait3A_139] : memref<1xf32, #tpu.memory_space<hbm>> -> memref<1xf32, #tpu.memory_space<hbm>>
      %dma_wait3A_141 = arith.constant 0 : i32
      %dma_wait3A_142 = tpu.memref_slice %arg10[%dma_wait3A_141] : memref<16xf32, #tpu.memory_space<vmem>> -> memref<1xf32, #tpu.memory_space<vmem>>
      %dma_wait3A_143 = arith.constant 0 : i32
      %dma_wait3A_144 = tpu.memref_slice %arg4[%dma_wait3A_143] : memref<1xf32, #tpu.memory_space<hbm>> -> memref<1xf32, #tpu.memory_space<hbm>>
      tpu.wait_dma2 semaphore(%run_scoped3A : memref<!tpu.dma_semaphore, #tpu.memory_space<semaphore_mem>>) src(%dma_wait3A_144 : memref<1xf32, #tpu.memory_space<hbm>>) dst(%dma_wait3A_142 : memref<1xf32, #tpu.memory_space<vmem>>)
      tpu.yield
    }) : () -> ()
    "tpu.region"() ({
      %run_scoped3A = tpu.sem_alloc : memref<!tpu.dma_semaphore, #tpu.memory_space<semaphore_mem>>
      %dma_start3A = arith.constant 0 : i32
      %dma_start3A_130 = tpu.memref_slice %arg2[%dma_start3A, %mul3A_2] : memref<26x16384xi32, #tpu.memory_space<hbm>> -> memref<26x512xi32, #tpu.memory_space<hbm>>
      %dma_start3A_131 = arith.constant 0 : i32
      %dma_start3A_132 = tpu.memref_slice %arg2[%dma_start3A_131, %mul3A_2] : memref<26x16384xi32, #tpu.memory_space<hbm>> -> memref<26x512xi32, #tpu.memory_space<hbm>>
      tpu.enqueue_dma source(%dma_start3A_132 : memref<26x512xi32, #tpu.memory_space<hbm>>) target(%arg6 : memref<26x512xi32, #tpu.memory_space<vmem>>) target_semaphore(%run_scoped3A : memref<!tpu.dma_semaphore, #tpu.memory_space<semaphore_mem>>)
      %dma_wait3A_133 = arith.constant 0 : i32
      %dma_wait3A_134 = tpu.memref_slice %arg2[%dma_wait3A_133, %mul3A_2] : memref<26x16384xi32, #tpu.memory_space<hbm>> -> memref<26x512xi32, #tpu.memory_space<hbm>>
      %dma_wait3A_135 = arith.constant 0 : i32
      %dma_wait3A_136 = tpu.memref_slice %arg2[%dma_wait3A_135, %mul3A_2] : memref<26x16384xi32, #tpu.memory_space<hbm>> -> memref<26x512xi32, #tpu.memory_space<hbm>>
      tpu.wait_dma2 semaphore(%run_scoped3A : memref<!tpu.dma_semaphore, #tpu.memory_space<semaphore_mem>>) src(%dma_wait3A_136 : memref<26x512xi32, #tpu.memory_space<hbm>>) dst(%arg6 : memref<26x512xi32, #tpu.memory_space<vmem>>)
      tpu.yield
    }) : () -> ()
    %scan3A = arith.constant 0 : i32
    %scan3A_32 = arith.constant 0 : i32
    %scan3A_33 = arith.constant 4 : i32
    %scan3A_34 = arith.addi %scan3A_32, %scan3A_33 : i32
    %scan3A_35 = arith.constant 1 : i32
    %scan3A_36 = scf.for %scan3A_130 = %scan3A_32 to %scan3A_34 step %scan3A_35 iter_args(%scan3A_131 = %scan3A) -> (i32)  : i32 {
      %mul3A_132 = arith.constant 38462 : i32
      %mul3A_133 = arith.muli %scan3A_130, %mul3A_132 : i32
      %scan3A_134 = arith.constant 0 : i32
      %scan3A_135 = arith.constant 0 : i32
      %scan3A_136 = arith.constant 4 : i32
      %scan3A_137 = arith.addi %scan3A_135, %scan3A_136 : i32
      %scan3A_138 = arith.constant 1 : i32
      %scan3A_139 = scf.for %scan3A_142 = %scan3A_135 to %scan3A_137 step %scan3A_138 iter_args(%scan3A_143 = %scan3A_134) -> (i32)  : i32 {
        %mul3A_144 = arith.constant 8 : i32
        %mul3A_145 = arith.muli %scan3A_142, %mul3A_144 : i32
        %add3A_146 = arith.constant 0 : i32
        %add3A_147 = arith.addi %mul3A_145, %add3A_146 : i32
        %mul3A_148 = arith.constant 16 : i32
        %mul3A_149 = arith.muli %add3A_147, %mul3A_148 : i32
        %get3A_150 = arith.index_cast %scan3A_130 : i32 to index
        %get3A_151 = arith.index_cast %mul3A_149 : i32 to index
        %get3A_152 = tpu.vector_load %arg6[%get3A_150, %get3A_151] {strides = array<i32>} : memref<26x512xi32, #tpu.memory_space<vmem>>, vector<16xi32>,
        %add3A_153 = vector.broadcast %mul3A_133 : i32 to vector<16xi32>
        %add3A_154 = arith.addi %get3A_152, %add3A_153 : vector<16xi32>
        %mul3A_155 = arith.constant 512 : i32
        %mul3A_156 = arith.muli %scan3A_130, %mul3A_155 : i32
        %add3A_157 = arith.addi %mul3A_156, %mul3A_149 : i32
        %swap3A = arith.index_cast %add3A_157 : i32 to index
        %swap3A_158 = tpu.vector_load %arg7[%swap3A] {strides = array<i32>} : memref<13312xi32, #tpu.memory_space<vmem>>, vector<16xi32>,
        tpu.vector_store %arg7[%swap3A], %add3A_154 {strides = array<i32>} : memref<13312xi32, #tpu.memory_space<vmem>>, vector<16xi32>,
        %mul3A_159 = arith.constant 8 : i32
        %mul3A_160 = arith.muli %scan3A_142, %mul3A_159 : i32
        %add3A_161 = arith.constant 1 : i32
        %add3A_162 = arith.addi %mul3A_160, %add3A_161 : i32
        %mul3A_163 = arith.constant 16 : i32
        %mul3A_164 = arith.muli %add3A_162, %mul3A_163 : i32
        %get3A_165 = arith.index_cast %scan3A_130 : i32 to index
        %get3A_166 = arith.index_cast %mul3A_164 : i32 to index
        %get3A_167 = tpu.vector_load %arg6[%get3A_165, %get3A_166] {strides = array<i32>} : memref<26x512xi32, #tpu.memory_space<vmem>>, vector<16xi32>,
        %add3A_168 = vector.broadcast %mul3A_133 : i32 to vector<16xi32>
        %add3A_169 = arith.addi %get3A_167, %add3A_168 : vector<16xi32>
        %mul3A_170 = arith.constant 512 : i32
        %mul3A_171 = arith.muli %scan3A_130, %mul3A_170 : i32
        %add3A_172 = arith.addi %mul3A_171, %mul3A_164 : i32
        %swap3A_173 = arith.index_cast %add3A_172 : i32 to index
        %swap3A_174 = tpu.vector_load %arg7[%swap3A_173] {strides = array<i32>} : memref<13312xi32, #tpu.memory_space<vmem>>, vector<16xi32>,
        tpu.vector_store %arg7[%swap3A_173], %add3A_169 {strides = array<i32>} : memref<13312xi32, #tpu.memory_space<vmem>>, vector<16xi32>,
        %mul3A_175 = arith.constant 8 : i32
        %mul3A_176 = arith.muli %scan3A_142, %mul3A_175 : i32
        %add3A_177 = arith.constant 2 : i32
        %add3A_178 = arith.addi %mul3A_176, %add3A_177 : i32
        %mul3A_179 = arith.constant 16 : i32
        %mul3A_180 = arith.muli %add3A_178, %mul3A_179 : i32
        %get3A_181 = arith.index_cast %scan3A_130 : i32 to index
        %get3A_182 = arith.index_cast %mul3A_180 : i32 to index
        %get3A_183 = tpu.vector_load %arg6[%get3A_181, %get3A_182] {strides = array<i32>} : memref<26x512xi32, #tpu.memory_space<vmem>>, vector<16xi32>,
        %add3A_184 = vector.broadcast %mul3A_133 : i32 to vector<16xi32>
        %add3A_185 = arith.addi %get3A_183, %add3A_184 : vector<16xi32>
        %mul3A_186 = arith.constant 512 : i32
        %mul3A_187 = arith.muli %scan3A_130, %mul3A_186 : i32
        %add3A_188 = arith.addi %mul3A_187, %mul3A_180 : i32
        %swap3A_189 = arith.index_cast %add3A_188 : i32 to index
        %swap3A_190 = tpu.vector_load %arg7[%swap3A_189] {strides = array<i32>} : memref<13312xi32, #tpu.memory_space<vmem>>, vector<16xi32>,
        tpu.vector_store %arg7[%swap3A_189], %add3A_185 {strides = array<i32>} : memref<13312xi32, #tpu.memory_space<vmem>>, vector<16xi32>,
        %mul3A_191 = arith.constant 8 : i32
        %mul3A_192 = arith.muli %scan3A_142, %mul3A_191 : i32
        %add3A_193 = arith.constant 3 : i32
        %add3A_194 = arith.addi %mul3A_192, %add3A_193 : i32
        %mul3A_195 = arith.constant 16 : i32
        %mul3A_196 = arith.muli %add3A_194, %mul3A_195 : i32
        %get3A_197 = arith.index_cast %scan3A_130 : i32 to index
        %get3A_198 = arith.index_cast %mul3A_196 : i32 to index
        %get3A_199 = tpu.vector_load %arg6[%get3A_197, %get3A_198] {strides = array<i32>} : memref<26x512xi32, #tpu.memory_space<vmem>>, vector<16xi32>,
        %add3A_200 = vector.broadcast %mul3A_133 : i32 to vector<16xi32>
        %add3A_201 = arith.addi %get3A_199, %add3A_200 : vector<16xi32>
        %mul3A_202 = arith.constant 512 : i32
        %mul3A_203 = arith.muli %scan3A_130, %mul3A_202 : i32
        %add3A_204 = arith.addi %mul3A_203, %mul3A_196 : i32
        %swap3A_205 = arith.index_cast %add3A_204 : i32 to index
        %swap3A_206 = tpu.vector_load %arg7[%swap3A_205] {strides = array<i32>} : memref<13312xi32, #tpu.memory_space<vmem>>, vector<16xi32>,
        tpu.vector_store %arg7[%swap3A_205], %add3A_201 {strides = array<i32>} : memref<13312xi32, #tpu.memory_space<vmem>>, vector<16xi32>,
        %mul3A_207 = arith.constant 8 : i32
        %mul3A_208 = arith.muli %scan3A_142, %mul3A_207 : i32
        %add3A_209 = arith.constant 4 : i32
        %add3A_210 = arith.addi %mul3A_208, %add3A_209 : i32
        %mul3A_211 = arith.constant 16 : i32
        %mul3A_212 = arith.muli %add3A_210, %mul3A_211 : i32
        %get3A_213 = arith.index_cast %scan3A_130 : i32 to index
        %get3A_214 = arith.index_cast %mul3A_212 : i32 to index
        %get3A_215 = tpu.vector_load %arg6[%get3A_213, %get3A_214] {strides = array<i32>} : memref<26x512xi32, #tpu.memory_space<vmem>>, vector<16xi32>,
        %add3A_216 = vector.broadcast %mul3A_133 : i32 to vector<16xi32>
        %add3A_217 = arith.addi %get3A_215, %add3A_216 : vector<16xi32>
        %mul3A_218 = arith.constant 512 : i32
        %mul3A_219 = arith.muli %scan3A_130, %mul3A_218 : i32
        %add3A_220 = arith.addi %mul3A_219, %mul3A_212 : i32
        %swap3A_221 = arith.index_cast %add3A_220 : i32 to index
        %swap3A_222 = tpu.vector_load %arg7[%swap3A_221] {strides = array<i32>} : memref<13312xi32, #tpu.memory_space<vmem>>, vector<16xi32>,
        tpu.vector_store %arg7[%swap3A_221], %add3A_217 {strides = array<i32>} : memref<13312xi32, #tpu.memory_space<vmem>>, vector<16xi32>,
        %mul3A_223 = arith.constant 8 : i32
        %mul3A_224 = arith.muli %scan3A_142, %mul3A_223 : i32
        %add3A_225 = arith.constant 5 : i32
        %add3A_226 = arith.addi %mul3A_224, %add3A_225 : i32
        %mul3A_227 = arith.constant 16 : i32
        %mul3A_228 = arith.muli %add3A_226, %mul3A_227 : i32
        %get3A_229 = arith.index_cast %scan3A_130 : i32 to index
        %get3A_230 = arith.index_cast %mul3A_228 : i32 to index
        %get3A_231 = tpu.vector_load %arg6[%get3A_229, %get3A_230] {strides = array<i32>} : memref<26x512xi32, #tpu.memory_space<vmem>>, vector<16xi32>,
        %add3A_232 = vector.broadcast %mul3A_133 : i32 to vector<16xi32>
        %add3A_233 = arith.addi %get3A_231, %add3A_232 : vector<16xi32>
        %mul3A_234 = arith.constant 512 : i32
        %mul3A_235 = arith.muli %scan3A_130, %mul3A_234 : i32
        %add3A_236 = arith.addi %mul3A_235, %mul3A_228 : i32
        %swap3A_237 = arith.index_cast %add3A_236 : i32 to index
        %swap3A_238 = tpu.vector_load %arg7[%swap3A_237] {strides = array<i32>} : memref<13312xi32, #tpu.memory_space<vmem>>, vector<16xi32>,
        tpu.vector_store %arg7[%swap3A_237], %add3A_233 {strides = array<i32>} : memref<13312xi32, #tpu.memory_space<vmem>>, vector<16xi32>,
        %mul3A_239 = arith.constant 8 : i32
        %mul3A_240 = arith.muli %scan3A_142, %mul3A_239 : i32
        %add3A_241 = arith.constant 6 : i32
        %add3A_242 = arith.addi %mul3A_240, %add3A_241 : i32
        %mul3A_243 = arith.constant 16 : i32
        %mul3A_244 = arith.muli %add3A_242, %mul3A_243 : i32
        %get3A_245 = arith.index_cast %scan3A_130 : i32 to index
        %get3A_246 = arith.index_cast %mul3A_244 : i32 to index
        %get3A_247 = tpu.vector_load %arg6[%get3A_245, %get3A_246] {strides = array<i32>} : memref<26x512xi32, #tpu.memory_space<vmem>>, vector<16xi32>,
        %add3A_248 = vector.broadcast %mul3A_133 : i32 to vector<16xi32>
        %add3A_249 = arith.addi %get3A_247, %add3A_248 : vector<16xi32>
        %mul3A_250 = arith.constant 512 : i32
        %mul3A_251 = arith.muli %scan3A_130, %mul3A_250 : i32
        %add3A_252 = arith.addi %mul3A_251, %mul3A_244 : i32
        %swap3A_253 = arith.index_cast %add3A_252 : i32 to index
        %swap3A_254 = tpu.vector_load %arg7[%swap3A_253] {strides = array<i32>} : memref<13312xi32, #tpu.memory_space<vmem>>, vector<16xi32>,
        tpu.vector_store %arg7[%swap3A_253], %add3A_249 {strides = array<i32>} : memref<13312xi32, #tpu.memory_space<vmem>>, vector<16xi32>,
        %mul3A_255 = arith.constant 8 : i32
        %mul3A_256 = arith.muli %scan3A_142, %mul3A_255 : i32
        %add3A_257 = arith.constant 7 : i32
        %add3A_258 = arith.addi %mul3A_256, %add3A_257 : i32
        %mul3A_259 = arith.constant 16 : i32
        %mul3A_260 = arith.muli %add3A_258, %mul3A_259 : i32
        %get3A_261 = arith.index_cast %scan3A_130 : i32 to index
        %get3A_262 = arith.index_cast %mul3A_260 : i32 to index
        %get3A_263 = tpu.vector_load %arg6[%get3A_261, %get3A_262] {strides = array<i32>} : memref<26x512xi32, #tpu.memory_space<vmem>>, vector<16xi32>,
        %add3A_264 = vector.broadcast %mul3A_133 : i32 to vector<16xi32>
        %add3A_265 = arith.addi %get3A_263, %add3A_264 : vector<16xi32>
        %mul3A_266 = arith.constant 512 : i32
        %mul3A_267 = arith.muli %scan3A_130, %mul3A_266 : i32
        %add3A_268 = arith.addi %mul3A_267, %mul3A_260 : i32
        %swap3A_269 = arith.index_cast %add3A_268 : i32 to index
        %swap3A_270 = tpu.vector_load %arg7[%swap3A_269] {strides = array<i32>} : memref<13312xi32, #tpu.memory_space<vmem>>, vector<16xi32>,
        tpu.vector_store %arg7[%swap3A_269], %add3A_265 {strides = array<i32>} : memref<13312xi32, #tpu.memory_space<vmem>>, vector<16xi32>,
        %scan3A_271 = arith.constant 0 : i32
        scf.yield %scan3A_271 : i32
      }
      %scan3A_140 = arith.constant 4 : i32
      %scan3A_141 = arith.constant 0 : i32
      scf.yield %scan3A_141 : i32
    }
    %scan3A_37 = arith.constant 4 : i32
    %mul3A_38 = arith.constant 31232 : i32
    %mul3A_39 = arith.muli %arg1, %mul3A_38 : i32
    %add3A_40 = arith.constant 0 : i32
    %add3A_41 = arith.addi %add3A_40, %mul3A_39 : i32
    %multiple_of3A_42 = tpu.assume_multiple %add3A_41, 128 : i32
    %multiple_of3A_43 = arith.constant 468480 : i32
    %multiple_of3A_44 = tpu.assume_multiple %multiple_of3A_43, 128 : i32
    %lt3A_45 = arith.constant 15 : i32
    %lt3A_46 = arith.cmpi slt, %arg1, %lt3A_45 : i32
    %convert_element_type3A_47 = arith.extui %lt3A_46 : i1 to i32
    %cond3A_48 = arith.constant 0 : i32
    %cond3A_49 = arith.cmpi ne, %convert_element_type3A_47, %cond3A_48 : i32
    scf.if %cond3A_49 {
      %dma_wait3A_130 = arith.constant 0 : i32
      %dma_wait3A_131 = tpu.memref_slice %arg11[%multiple_of3A_42] : memref<1000064xf32, #tpu.memory_space<vmem_shared>> -> memref<31232xf32, #tpu.memory_space<vmem_shared>>
      %dma_wait3A_132 = tpu.memref_slice %arg3[%dma_wait3A_130, %multiple_of3A_42] : memref<1x1000012xf32, #tpu.memory_space<hbm>> -> memref<1x31232xf32, #tpu.memory_space<hbm>>
      %dma_wait3A_133 = tpu.memref_squeeze %dma_wait3A_132 : memref<1x31232xf32, #tpu.memory_space<hbm>> -> memref<31232xf32, #tpu.memory_space<hbm>>
      tpu.wait_dma2 semaphore(%arg13 : memref<!tpu.dma_semaphore, #tpu.memory_space<semaphore_mem>>) src(%dma_wait3A_133 : memref<31232xf32, #tpu.memory_space<hbm>>) dst(%dma_wait3A_131 : memref<31232xf32, #tpu.memory_space<vmem_shared>>)
    } else {
    }
    %eq3A_50 = arith.constant 15 : i32
    %eq3A_51 = arith.cmpi eq, %arg1, %eq3A_50 : i32
    %convert_element_type3A_52 = arith.extui %eq3A_51 : i1 to i32
    %cond3A_53 = arith.constant 0 : i32
    %cond3A_54 = arith.cmpi ne, %convert_element_type3A_52, %cond3A_53 : i32
    scf.if %cond3A_54 {
      %dma_wait3A_130 = arith.constant 0 : i32
      %dma_wait3A_131 = tpu.memref_slice %arg11[%multiple_of3A_44] : memref<1000064xf32, #tpu.memory_space<vmem_shared>> -> memref<31616xf32, #tpu.memory_space<vmem_shared>>
      %dma_wait3A_132 = tpu.memref_slice %arg3[%dma_wait3A_130, %multiple_of3A_44] : memref<1x1000012xf32, #tpu.memory_space<hbm>> -> memref<1x31616xf32, #tpu.memory_space<hbm>>
      %dma_wait3A_133 = tpu.memref_squeeze %dma_wait3A_132 : memref<1x31616xf32, #tpu.memory_space<hbm>> -> memref<31616xf32, #tpu.memory_space<hbm>>
      tpu.wait_dma2 semaphore(%arg13 : memref<!tpu.dma_semaphore, #tpu.memory_space<semaphore_mem>>) src(%dma_wait3A_133 : memref<31616xf32, #tpu.memory_space<hbm>>) dst(%dma_wait3A_131 : memref<31616xf32, #tpu.memory_space<vmem_shared>>)
    } else {
    }
    %barrier3A = arith.constant 0 : index
    tpu.barrier barrier_id(%barrier3A)
    %scan3A_55 = arith.constant 0 : i32
    %scan3A_56 = arith.constant 0 : i32
    %scan3A_57 = arith.constant 4 : i32
    %scan3A_58 = arith.addi %scan3A_56, %scan3A_57 : i32
    %scan3A_59 = arith.constant 1 : i32
    %scan3A_60 = scf.for %scan3A_130 = %scan3A_56 to %scan3A_58 step %scan3A_59 iter_args(%scan3A_131 = %scan3A_55) -> (i32)  : i32 {
      %scan3A_132 = arith.constant 0 : i32
      %scan3A_133 = arith.constant 0 : i32
      %mul3A_134 = arith.constant 512 : i32
      %mul3A_135 = arith.muli %scan3A_130, %mul3A_134 : i32
      %mul3A_136 = arith.constant 512 : i32
      %mul3A_137 = arith.muli %scan3A_133, %mul3A_136 : i32
      %add3A_138 = arith.addi %mul3A_135, %mul3A_137 : i32
      %dma_start3A = tpu.memref_slice %arg8[%add3A_138] : memref<13312xf32, #tpu.memory_space<vmem>> -> memref<512xf32, #tpu.memory_space<vmem>>
      %dma_start3A_139 = tpu.memref_slice %arg7[%add3A_138] : memref<13312xi32, #tpu.memory_space<vmem>> -> memref<512xi32, #tpu.memory_space<vmem>>
      %dma_start3A_140 = arith.constant 0 : i32
      %dma_start3A_141 = tpu.memref_slice %arg11[%dma_start3A_140] : memref<1000064xf32, #tpu.memory_space<vmem_shared>> -> memref<1000064xf32, #tpu.memory_space<vmem_shared>>
      tpu.enqueue_indirect_dma source(%dma_start3A_141 : memref<1000064xf32, #tpu.memory_space<vmem_shared>>) target(%dma_start3A : memref<512xf32, #tpu.memory_space<vmem>>) offsets(%dma_start3A_139 : memref<512xi32, #tpu.memory_space<vmem>>) semaphore(%arg12 : memref<!tpu.dma_semaphore, #tpu.memory_space<semaphore_mem>>)
      %scan3A_142 = arith.constant 0 : i32
      %scan3A_143 = arith.constant 1 : i32
      %scan3A_144 = arith.constant 0 : i32
      scf.yield %scan3A_144 : i32
    }
    %scan3A_61 = arith.constant 4 : i32
    %scan3A_62 = arith.constant 0 : i32
    %scan3A_63 = arith.constant 4 : i32
    %scan3A_64 = arith.constant 9 : i32
    %scan3A_65 = arith.addi %scan3A_63, %scan3A_64 : i32
    %scan3A_66 = arith.constant 1 : i32
    %scan3A_67 = scf.for %scan3A_130 = %scan3A_63 to %scan3A_65 step %scan3A_66 iter_args(%scan3A_131 = %scan3A_62) -> (i32)  : i32 {
      %mul3A_132 = arith.constant 38462 : i32
      %mul3A_133 = arith.muli %scan3A_130, %mul3A_132 : i32
      %scan3A_134 = arith.constant 0 : i32
      %scan3A_135 = arith.constant 0 : i32
      %scan3A_136 = arith.constant 4 : i32
      %scan3A_137 = arith.addi %scan3A_135, %scan3A_136 : i32
      %scan3A_138 = arith.constant 1 : i32
      %scan3A_139 = scf.for %scan3A_154 = %scan3A_135 to %scan3A_137 step %scan3A_138 iter_args(%scan3A_155 = %scan3A_134) -> (i32)  : i32 {
        %mul3A_156 = arith.constant 8 : i32
        %mul3A_157 = arith.muli %scan3A_154, %mul3A_156 : i32
        %add3A_158 = arith.constant 0 : i32
        %add3A_159 = arith.addi %mul3A_157, %add3A_158 : i32
        %mul3A_160 = arith.constant 16 : i32
        %mul3A_161 = arith.muli %add3A_159, %mul3A_160 : i32
        %get3A_162 = arith.index_cast %scan3A_130 : i32 to index
        %get3A_163 = arith.index_cast %mul3A_161 : i32 to index
        %get3A_164 = tpu.vector_load %arg6[%get3A_162, %get3A_163] {strides = array<i32>} : memref<26x512xi32, #tpu.memory_space<vmem>>, vector<16xi32>,
        %add3A_165 = vector.broadcast %mul3A_133 : i32 to vector<16xi32>
        %add3A_166 = arith.addi %get3A_164, %add3A_165 : vector<16xi32>
        %mul3A_167 = arith.constant 512 : i32
        %mul3A_168 = arith.muli %scan3A_130, %mul3A_167 : i32
        %add3A_169 = arith.addi %mul3A_168, %mul3A_161 : i32
        %swap3A = arith.index_cast %add3A_169 : i32 to index
        %swap3A_170 = tpu.vector_load %arg7[%swap3A] {strides = array<i32>} : memref<13312xi32, #tpu.memory_space<vmem>>, vector<16xi32>,
        tpu.vector_store %arg7[%swap3A], %add3A_166 {strides = array<i32>} : memref<13312xi32, #tpu.memory_space<vmem>>, vector<16xi32>,
        %mul3A_171 = arith.constant 8 : i32
        %mul3A_172 = arith.muli %scan3A_154, %mul3A_171 : i32
        %add3A_173 = arith.constant 1 : i32
        %add3A_174 = arith.addi %mul3A_172, %add3A_173 : i32
        %mul3A_175 = arith.constant 16 : i32
        %mul3A_176 = arith.muli %add3A_174, %mul3A_175 : i32
        %get3A_177 = arith.index_cast %scan3A_130 : i32 to index
        %get3A_178 = arith.index_cast %mul3A_176 : i32 to index
        %get3A_179 = tpu.vector_load %arg6[%get3A_177, %get3A_178] {strides = array<i32>} : memref<26x512xi32, #tpu.memory_space<vmem>>, vector<16xi32>,
        %add3A_180 = vector.broadcast %mul3A_133 : i32 to vector<16xi32>
        %add3A_181 = arith.addi %get3A_179, %add3A_180 : vector<16xi32>
        %mul3A_182 = arith.constant 512 : i32
        %mul3A_183 = arith.muli %scan3A_130, %mul3A_182 : i32
        %add3A_184 = arith.addi %mul3A_183, %mul3A_176 : i32
        %swap3A_185 = arith.index_cast %add3A_184 : i32 to index
        %swap3A_186 = tpu.vector_load %arg7[%swap3A_185] {strides = array<i32>} : memref<13312xi32, #tpu.memory_space<vmem>>, vector<16xi32>,
        tpu.vector_store %arg7[%swap3A_185], %add3A_181 {strides = array<i32>} : memref<13312xi32, #tpu.memory_space<vmem>>, vector<16xi32>,
        %mul3A_187 = arith.constant 8 : i32
        %mul3A_188 = arith.muli %scan3A_154, %mul3A_187 : i32
        %add3A_189 = arith.constant 2 : i32
        %add3A_190 = arith.addi %mul3A_188, %add3A_189 : i32
        %mul3A_191 = arith.constant 16 : i32
        %mul3A_192 = arith.muli %add3A_190, %mul3A_191 : i32
        %get3A_193 = arith.index_cast %scan3A_130 : i32 to index
        %get3A_194 = arith.index_cast %mul3A_192 : i32 to index
        %get3A_195 = tpu.vector_load %arg6[%get3A_193, %get3A_194] {strides = array<i32>} : memref<26x512xi32, #tpu.memory_space<vmem>>, vector<16xi32>,
        %add3A_196 = vector.broadcast %mul3A_133 : i32 to vector<16xi32>
        %add3A_197 = arith.addi %get3A_195, %add3A_196 : vector<16xi32>
        %mul3A_198 = arith.constant 512 : i32
        %mul3A_199 = arith.muli %scan3A_130, %mul3A_198 : i32
        %add3A_200 = arith.addi %mul3A_199, %mul3A_192 : i32
        %swap3A_201 = arith.index_cast %add3A_200 : i32 to index
        %swap3A_202 = tpu.vector_load %arg7[%swap3A_201] {strides = array<i32>} : memref<13312xi32, #tpu.memory_space<vmem>>, vector<16xi32>,
        tpu.vector_store %arg7[%swap3A_201], %add3A_197 {strides = array<i32>} : memref<13312xi32, #tpu.memory_space<vmem>>, vector<16xi32>,
        %mul3A_203 = arith.constant 8 : i32
        %mul3A_204 = arith.muli %scan3A_154, %mul3A_203 : i32
        %add3A_205 = arith.constant 3 : i32
        %add3A_206 = arith.addi %mul3A_204, %add3A_205 : i32
        %mul3A_207 = arith.constant 16 : i32
        %mul3A_208 = arith.muli %add3A_206, %mul3A_207 : i32
        %get3A_209 = arith.index_cast %scan3A_130 : i32 to index
        %get3A_210 = arith.index_cast %mul3A_208 : i32 to index
        %get3A_211 = tpu.vector_load %arg6[%get3A_209, %get3A_210] {strides = array<i32>} : memref<26x512xi32, #tpu.memory_space<vmem>>, vector<16xi32>,
        %add3A_212 = vector.broadcast %mul3A_133 : i32 to vector<16xi32>
        %add3A_213 = arith.addi %get3A_211, %add3A_212 : vector<16xi32>
        %mul3A_214 = arith.constant 512 : i32
        %mul3A_215 = arith.muli %scan3A_130, %mul3A_214 : i32
        %add3A_216 = arith.addi %mul3A_215, %mul3A_208 : i32
        %swap3A_217 = arith.index_cast %add3A_216 : i32 to index
        %swap3A_218 = tpu.vector_load %arg7[%swap3A_217] {strides = array<i32>} : memref<13312xi32, #tpu.memory_space<vmem>>, vector<16xi32>,
        tpu.vector_store %arg7[%swap3A_217], %add3A_213 {strides = array<i32>} : memref<13312xi32, #tpu.memory_space<vmem>>, vector<16xi32>,
        %mul3A_219 = arith.constant 8 : i32
        %mul3A_220 = arith.muli %scan3A_154, %mul3A_219 : i32
        %add3A_221 = arith.constant 4 : i32
        %add3A_222 = arith.addi %mul3A_220, %add3A_221 : i32
        %mul3A_223 = arith.constant 16 : i32
        %mul3A_224 = arith.muli %add3A_222, %mul3A_223 : i32
        %get3A_225 = arith.index_cast %scan3A_130 : i32 to index
        %get3A_226 = arith.index_cast %mul3A_224 : i32 to index
        %get3A_227 = tpu.vector_load %arg6[%get3A_225, %get3A_226] {strides = array<i32>} : memref<26x512xi32, #tpu.memory_space<vmem>>, vector<16xi32>,
        %add3A_228 = vector.broadcast %mul3A_133 : i32 to vector<16xi32>
        %add3A_229 = arith.addi %get3A_227, %add3A_228 : vector<16xi32>
        %mul3A_230 = arith.constant 512 : i32
        %mul3A_231 = arith.muli %scan3A_130, %mul3A_230 : i32
        %add3A_232 = arith.addi %mul3A_231, %mul3A_224 : i32
        %swap3A_233 = arith.index_cast %add3A_232 : i32 to index
        %swap3A_234 = tpu.vector_load %arg7[%swap3A_233] {strides = array<i32>} : memref<13312xi32, #tpu.memory_space<vmem>>, vector<16xi32>,
        tpu.vector_store %arg7[%swap3A_233], %add3A_229 {strides = array<i32>} : memref<13312xi32, #tpu.memory_space<vmem>>, vector<16xi32>,
        %mul3A_235 = arith.constant 8 : i32
        %mul3A_236 = arith.muli %scan3A_154, %mul3A_235 : i32
        %add3A_237 = arith.constant 5 : i32
        %add3A_238 = arith.addi %mul3A_236, %add3A_237 : i32
        %mul3A_239 = arith.constant 16 : i32
        %mul3A_240 = arith.muli %add3A_238, %mul3A_239 : i32
        %get3A_241 = arith.index_cast %scan3A_130 : i32 to index
        %get3A_242 = arith.index_cast %mul3A_240 : i32 to index
        %get3A_243 = tpu.vector_load %arg6[%get3A_241, %get3A_242] {strides = array<i32>} : memref<26x512xi32, #tpu.memory_space<vmem>>, vector<16xi32>,
        %add3A_244 = vector.broadcast %mul3A_133 : i32 to vector<16xi32>
        %add3A_245 = arith.addi %get3A_243, %add3A_244 : vector<16xi32>
        %mul3A_246 = arith.constant 512 : i32
        %mul3A_247 = arith.muli %scan3A_130, %mul3A_246 : i32
        %add3A_248 = arith.addi %mul3A_247, %mul3A_240 : i32
        %swap3A_249 = arith.index_cast %add3A_248 : i32 to index
        %swap3A_250 = tpu.vector_load %arg7[%swap3A_249] {strides = array<i32>} : memref<13312xi32, #tpu.memory_space<vmem>>, vector<16xi32>,
        tpu.vector_store %arg7[%swap3A_249], %add3A_245 {strides = array<i32>} : memref<13312xi32, #tpu.memory_space<vmem>>, vector<16xi32>,
        %mul3A_251 = arith.constant 8 : i32
        %mul3A_252 = arith.muli %scan3A_154, %mul3A_251 : i32
        %add3A_253 = arith.constant 6 : i32
        %add3A_254 = arith.addi %mul3A_252, %add3A_253 : i32
        %mul3A_255 = arith.constant 16 : i32
        %mul3A_256 = arith.muli %add3A_254, %mul3A_255 : i32
        %get3A_257 = arith.index_cast %scan3A_130 : i32 to index
        %get3A_258 = arith.index_cast %mul3A_256 : i32 to index
        %get3A_259 = tpu.vector_load %arg6[%get3A_257, %get3A_258] {strides = array<i32>} : memref<26x512xi32, #tpu.memory_space<vmem>>, vector<16xi32>,
        %add3A_260 = vector.broadcast %mul3A_133 : i32 to vector<16xi32>
        %add3A_261 = arith.addi %get3A_259, %add3A_260 : vector<16xi32>
        %mul3A_262 = arith.constant 512 : i32
        %mul3A_263 = arith.muli %scan3A_130, %mul3A_262 : i32
        %add3A_264 = arith.addi %mul3A_263, %mul3A_256 : i32
        %swap3A_265 = arith.index_cast %add3A_264 : i32 to index
        %swap3A_266 = tpu.vector_load %arg7[%swap3A_265] {strides = array<i32>} : memref<13312xi32, #tpu.memory_space<vmem>>, vector<16xi32>,
        tpu.vector_store %arg7[%swap3A_265], %add3A_261 {strides = array<i32>} : memref<13312xi32, #tpu.memory_space<vmem>>, vector<16xi32>,
        %mul3A_267 = arith.constant 8 : i32
        %mul3A_268 = arith.muli %scan3A_154, %mul3A_267 : i32
        %add3A_269 = arith.constant 7 : i32
        %add3A_270 = arith.addi %mul3A_268, %add3A_269 : i32
        %mul3A_271 = arith.constant 16 : i32
        %mul3A_272 = arith.muli %add3A_270, %mul3A_271 : i32
        %get3A_273 = arith.index_cast %scan3A_130 : i32 to index
        %get3A_274 = arith.index_cast %mul3A_272 : i32 to index
        %get3A_275 = tpu.vector_load %arg6[%get3A_273, %get3A_274] {strides = array<i32>} : memref<26x512xi32, #tpu.memory_space<vmem>>, vector<16xi32>,
        %add3A_276 = vector.broadcast %mul3A_133 : i32 to vector<16xi32>
        %add3A_277 = arith.addi %get3A_275, %add3A_276 : vector<16xi32>
        %mul3A_278 = arith.constant 512 : i32
        %mul3A_279 = arith.muli %scan3A_130, %mul3A_278 : i32
        %add3A_280 = arith.addi %mul3A_279, %mul3A_272 : i32
        %swap3A_281 = arith.index_cast %add3A_280 : i32 to index
        %swap3A_282 = tpu.vector_load %arg7[%swap3A_281] {strides = array<i32>} : memref<13312xi32, #tpu.memory_space<vmem>>, vector<16xi32>,
        tpu.vector_store %arg7[%swap3A_281], %add3A_277 {strides = array<i32>} : memref<13312xi32, #tpu.memory_space<vmem>>, vector<16xi32>,
        %scan3A_283 = arith.constant 0 : i32
        scf.yield %scan3A_283 : i32
      }
      %scan3A_140 = arith.constant 4 : i32
      %scan3A_141 = arith.constant 0 : i32
      %scan3A_142 = arith.constant 0 : i32
      %mul3A_143 = arith.constant 512 : i32
      %mul3A_144 = arith.muli %scan3A_130, %mul3A_143 : i32
      %mul3A_145 = arith.constant 512 : i32
      %mul3A_146 = arith.muli %scan3A_142, %mul3A_145 : i32
      %add3A_147 = arith.addi %mul3A_144, %mul3A_146 : i32
      %dma_start3A = tpu.memref_slice %arg8[%add3A_147] : memref<13312xf32, #tpu.memory_space<vmem>> -> memref<512xf32, #tpu.memory_space<vmem>>
      %dma_start3A_148 = tpu.memref_slice %arg7[%add3A_147] : memref<13312xi32, #tpu.memory_space<vmem>> -> memref<512xi32, #tpu.memory_space<vmem>>
      %dma_start3A_149 = arith.constant 0 : i32
      %dma_start3A_150 = tpu.memref_slice %arg11[%dma_start3A_149] : memref<1000064xf32, #tpu.memory_space<vmem_shared>> -> memref<1000064xf32, #tpu.memory_space<vmem_shared>>
      tpu.enqueue_indirect_dma source(%dma_start3A_150 : memref<1000064xf32, #tpu.memory_space<vmem_shared>>) target(%dma_start3A : memref<512xf32, #tpu.memory_space<vmem>>) offsets(%dma_start3A_148 : memref<512xi32, #tpu.memory_space<vmem>>) semaphore(%arg12 : memref<!tpu.dma_semaphore, #tpu.memory_space<semaphore_mem>>)
      %scan3A_151 = arith.constant 0 : i32
      %scan3A_152 = arith.constant 1 : i32
      %scan3A_153 = arith.constant 0 : i32
      scf.yield %scan3A_153 : i32
    }
    %scan3A_68 = arith.constant 9 : i32
    %mul3A_69 = arith.constant 31232 : i32
    %mul3A_70 = arith.muli %arg1, %mul3A_69 : i32
    %add3A_71 = arith.constant 499968 : i32
    %add3A_72 = arith.addi %add3A_71, %mul3A_70 : i32
    %multiple_of3A_73 = tpu.assume_multiple %add3A_72, 128 : i32
    %multiple_of3A_74 = arith.constant 968448 : i32
    %multiple_of3A_75 = tpu.assume_multiple %multiple_of3A_74, 128 : i32
    %lt3A_76 = arith.constant 15 : i32
    %lt3A_77 = arith.cmpi slt, %arg1, %lt3A_76 : i32
    %convert_element_type3A_78 = arith.extui %lt3A_77 : i1 to i32
    %cond3A_79 = arith.constant 0 : i32
    %cond3A_80 = arith.cmpi ne, %convert_element_type3A_78, %cond3A_79 : i32
    scf.if %cond3A_80 {
      %dma_wait3A_130 = arith.constant 0 : i32
      %dma_wait3A_131 = tpu.memref_slice %arg11[%multiple_of3A_73] : memref<1000064xf32, #tpu.memory_space<vmem_shared>> -> memref<31232xf32, #tpu.memory_space<vmem_shared>>
      %dma_wait3A_132 = tpu.memref_slice %arg3[%dma_wait3A_130, %multiple_of3A_73] : memref<1x1000012xf32, #tpu.memory_space<hbm>> -> memref<1x31232xf32, #tpu.memory_space<hbm>>
      %dma_wait3A_133 = tpu.memref_squeeze %dma_wait3A_132 : memref<1x31232xf32, #tpu.memory_space<hbm>> -> memref<31232xf32, #tpu.memory_space<hbm>>
      tpu.wait_dma2 semaphore(%arg15 : memref<!tpu.dma_semaphore, #tpu.memory_space<semaphore_mem>>) src(%dma_wait3A_133 : memref<31232xf32, #tpu.memory_space<hbm>>) dst(%dma_wait3A_131 : memref<31232xf32, #tpu.memory_space<vmem_shared>>)
    } else {
    }
    %eq3A_81 = arith.constant 15 : i32
    %eq3A_82 = arith.cmpi eq, %arg1, %eq3A_81 : i32
    %convert_element_type3A_83 = arith.extui %eq3A_82 : i1 to i32
    %cond3A_84 = arith.constant 0 : i32
    %cond3A_85 = arith.cmpi ne, %convert_element_type3A_83, %cond3A_84 : i32
    scf.if %cond3A_85 {
      %dma_wait3A_130 = arith.constant 0 : i32
      %dma_wait3A_131 = tpu.memref_slice %arg11[%multiple_of3A_75] : memref<1000064xf32, #tpu.memory_space<vmem_shared>> -> memref<31616xf32, #tpu.memory_space<vmem_shared>>
      %dma_wait3A_132 = tpu.memref_slice %arg3[%dma_wait3A_130, %multiple_of3A_75] : memref<1x1000012xf32, #tpu.memory_space<hbm>> -> memref<1x31616xf32, #tpu.memory_space<hbm>>
      %dma_wait3A_133 = tpu.memref_squeeze %dma_wait3A_132 : memref<1x31616xf32, #tpu.memory_space<hbm>> -> memref<31616xf32, #tpu.memory_space<hbm>>
      tpu.wait_dma2 semaphore(%arg15 : memref<!tpu.dma_semaphore, #tpu.memory_space<semaphore_mem>>) src(%dma_wait3A_133 : memref<31616xf32, #tpu.memory_space<hbm>>) dst(%dma_wait3A_131 : memref<31616xf32, #tpu.memory_space<vmem_shared>>)
    } else {
    }
    %barrier3A_86 = arith.constant 0 : index
    tpu.barrier barrier_id(%barrier3A_86)
    %scan3A_87 = arith.constant 0 : i32
    %scan3A_88 = arith.constant 13 : i32
    %scan3A_89 = arith.constant 13 : i32
    %scan3A_90 = arith.addi %scan3A_88, %scan3A_89 : i32
    %scan3A_91 = arith.constant 1 : i32
    %scan3A_92 = scf.for %scan3A_130 = %scan3A_88 to %scan3A_90 step %scan3A_91 iter_args(%scan3A_131 = %scan3A_87) -> (i32)  : i32 {
      %mul3A_132 = arith.constant 38462 : i32
      %mul3A_133 = arith.muli %scan3A_130, %mul3A_132 : i32
      %scan3A_134 = arith.constant 0 : i32
      %scan3A_135 = arith.constant 0 : i32
      %scan3A_136 = arith.constant 4 : i32
      %scan3A_137 = arith.addi %scan3A_135, %scan3A_136 : i32
      %scan3A_138 = arith.constant 1 : i32
      %scan3A_139 = scf.for %scan3A_154 = %scan3A_135 to %scan3A_137 step %scan3A_138 iter_args(%scan3A_155 = %scan3A_134) -> (i32)  : i32 {
        %mul3A_156 = arith.constant 8 : i32
        %mul3A_157 = arith.muli %scan3A_154, %mul3A_156 : i32
        %add3A_158 = arith.constant 0 : i32
        %add3A_159 = arith.addi %mul3A_157, %add3A_158 : i32
        %mul3A_160 = arith.constant 16 : i32
        %mul3A_161 = arith.muli %add3A_159, %mul3A_160 : i32
        %get3A_162 = arith.index_cast %scan3A_130 : i32 to index
        %get3A_163 = arith.index_cast %mul3A_161 : i32 to index
        %get3A_164 = tpu.vector_load %arg6[%get3A_162, %get3A_163] {strides = array<i32>} : memref<26x512xi32, #tpu.memory_space<vmem>>, vector<16xi32>,
        %add3A_165 = vector.broadcast %mul3A_133 : i32 to vector<16xi32>
        %add3A_166 = arith.addi %get3A_164, %add3A_165 : vector<16xi32>
        %mul3A_167 = arith.constant 512 : i32
        %mul3A_168 = arith.muli %scan3A_130, %mul3A_167 : i32
        %add3A_169 = arith.addi %mul3A_168, %mul3A_161 : i32
        %swap3A = arith.index_cast %add3A_169 : i32 to index
        %swap3A_170 = tpu.vector_load %arg7[%swap3A] {strides = array<i32>} : memref<13312xi32, #tpu.memory_space<vmem>>, vector<16xi32>,
        tpu.vector_store %arg7[%swap3A], %add3A_166 {strides = array<i32>} : memref<13312xi32, #tpu.memory_space<vmem>>, vector<16xi32>,
        %mul3A_171 = arith.constant 8 : i32
        %mul3A_172 = arith.muli %scan3A_154, %mul3A_171 : i32
        %add3A_173 = arith.constant 1 : i32
        %add3A_174 = arith.addi %mul3A_172, %add3A_173 : i32
        %mul3A_175 = arith.constant 16 : i32
        %mul3A_176 = arith.muli %add3A_174, %mul3A_175 : i32
        %get3A_177 = arith.index_cast %scan3A_130 : i32 to index
        %get3A_178 = arith.index_cast %mul3A_176 : i32 to index
        %get3A_179 = tpu.vector_load %arg6[%get3A_177, %get3A_178] {strides = array<i32>} : memref<26x512xi32, #tpu.memory_space<vmem>>, vector<16xi32>,
        %add3A_180 = vector.broadcast %mul3A_133 : i32 to vector<16xi32>
        %add3A_181 = arith.addi %get3A_179, %add3A_180 : vector<16xi32>
        %mul3A_182 = arith.constant 512 : i32
        %mul3A_183 = arith.muli %scan3A_130, %mul3A_182 : i32
        %add3A_184 = arith.addi %mul3A_183, %mul3A_176 : i32
        %swap3A_185 = arith.index_cast %add3A_184 : i32 to index
        %swap3A_186 = tpu.vector_load %arg7[%swap3A_185] {strides = array<i32>} : memref<13312xi32, #tpu.memory_space<vmem>>, vector<16xi32>,
        tpu.vector_store %arg7[%swap3A_185], %add3A_181 {strides = array<i32>} : memref<13312xi32, #tpu.memory_space<vmem>>, vector<16xi32>,
        %mul3A_187 = arith.constant 8 : i32
        %mul3A_188 = arith.muli %scan3A_154, %mul3A_187 : i32
        %add3A_189 = arith.constant 2 : i32
        %add3A_190 = arith.addi %mul3A_188, %add3A_189 : i32
        %mul3A_191 = arith.constant 16 : i32
        %mul3A_192 = arith.muli %add3A_190, %mul3A_191 : i32
        %get3A_193 = arith.index_cast %scan3A_130 : i32 to index
        %get3A_194 = arith.index_cast %mul3A_192 : i32 to index
        %get3A_195 = tpu.vector_load %arg6[%get3A_193, %get3A_194] {strides = array<i32>} : memref<26x512xi32, #tpu.memory_space<vmem>>, vector<16xi32>,
        %add3A_196 = vector.broadcast %mul3A_133 : i32 to vector<16xi32>
        %add3A_197 = arith.addi %get3A_195, %add3A_196 : vector<16xi32>
        %mul3A_198 = arith.constant 512 : i32
        %mul3A_199 = arith.muli %scan3A_130, %mul3A_198 : i32
        %add3A_200 = arith.addi %mul3A_199, %mul3A_192 : i32
        %swap3A_201 = arith.index_cast %add3A_200 : i32 to index
        %swap3A_202 = tpu.vector_load %arg7[%swap3A_201] {strides = array<i32>} : memref<13312xi32, #tpu.memory_space<vmem>>, vector<16xi32>,
        tpu.vector_store %arg7[%swap3A_201], %add3A_197 {strides = array<i32>} : memref<13312xi32, #tpu.memory_space<vmem>>, vector<16xi32>,
        %mul3A_203 = arith.constant 8 : i32
        %mul3A_204 = arith.muli %scan3A_154, %mul3A_203 : i32
        %add3A_205 = arith.constant 3 : i32
        %add3A_206 = arith.addi %mul3A_204, %add3A_205 : i32
        %mul3A_207 = arith.constant 16 : i32
        %mul3A_208 = arith.muli %add3A_206, %mul3A_207 : i32
        %get3A_209 = arith.index_cast %scan3A_130 : i32 to index
        %get3A_210 = arith.index_cast %mul3A_208 : i32 to index
        %get3A_211 = tpu.vector_load %arg6[%get3A_209, %get3A_210] {strides = array<i32>} : memref<26x512xi32, #tpu.memory_space<vmem>>, vector<16xi32>,
        %add3A_212 = vector.broadcast %mul3A_133 : i32 to vector<16xi32>
        %add3A_213 = arith.addi %get3A_211, %add3A_212 : vector<16xi32>
        %mul3A_214 = arith.constant 512 : i32
        %mul3A_215 = arith.muli %scan3A_130, %mul3A_214 : i32
        %add3A_216 = arith.addi %mul3A_215, %mul3A_208 : i32
        %swap3A_217 = arith.index_cast %add3A_216 : i32 to index
        %swap3A_218 = tpu.vector_load %arg7[%swap3A_217] {strides = array<i32>} : memref<13312xi32, #tpu.memory_space<vmem>>, vector<16xi32>,
        tpu.vector_store %arg7[%swap3A_217], %add3A_213 {strides = array<i32>} : memref<13312xi32, #tpu.memory_space<vmem>>, vector<16xi32>,
        %mul3A_219 = arith.constant 8 : i32
        %mul3A_220 = arith.muli %scan3A_154, %mul3A_219 : i32
        %add3A_221 = arith.constant 4 : i32
        %add3A_222 = arith.addi %mul3A_220, %add3A_221 : i32
        %mul3A_223 = arith.constant 16 : i32
        %mul3A_224 = arith.muli %add3A_222, %mul3A_223 : i32
        %get3A_225 = arith.index_cast %scan3A_130 : i32 to index
        %get3A_226 = arith.index_cast %mul3A_224 : i32 to index
        %get3A_227 = tpu.vector_load %arg6[%get3A_225, %get3A_226] {strides = array<i32>} : memref<26x512xi32, #tpu.memory_space<vmem>>, vector<16xi32>,
        %add3A_228 = vector.broadcast %mul3A_133 : i32 to vector<16xi32>
        %add3A_229 = arith.addi %get3A_227, %add3A_228 : vector<16xi32>
        %mul3A_230 = arith.constant 512 : i32
        %mul3A_231 = arith.muli %scan3A_130, %mul3A_230 : i32
        %add3A_232 = arith.addi %mul3A_231, %mul3A_224 : i32
        %swap3A_233 = arith.index_cast %add3A_232 : i32 to index
        %swap3A_234 = tpu.vector_load %arg7[%swap3A_233] {strides = array<i32>} : memref<13312xi32, #tpu.memory_space<vmem>>, vector<16xi32>,
        tpu.vector_store %arg7[%swap3A_233], %add3A_229 {strides = array<i32>} : memref<13312xi32, #tpu.memory_space<vmem>>, vector<16xi32>,
        %mul3A_235 = arith.constant 8 : i32
        %mul3A_236 = arith.muli %scan3A_154, %mul3A_235 : i32
        %add3A_237 = arith.constant 5 : i32
        %add3A_238 = arith.addi %mul3A_236, %add3A_237 : i32
        %mul3A_239 = arith.constant 16 : i32
        %mul3A_240 = arith.muli %add3A_238, %mul3A_239 : i32
        %get3A_241 = arith.index_cast %scan3A_130 : i32 to index
        %get3A_242 = arith.index_cast %mul3A_240 : i32 to index
        %get3A_243 = tpu.vector_load %arg6[%get3A_241, %get3A_242] {strides = array<i32>} : memref<26x512xi32, #tpu.memory_space<vmem>>, vector<16xi32>,
        %add3A_244 = vector.broadcast %mul3A_133 : i32 to vector<16xi32>
        %add3A_245 = arith.addi %get3A_243, %add3A_244 : vector<16xi32>
        %mul3A_246 = arith.constant 512 : i32
        %mul3A_247 = arith.muli %scan3A_130, %mul3A_246 : i32
        %add3A_248 = arith.addi %mul3A_247, %mul3A_240 : i32
        %swap3A_249 = arith.index_cast %add3A_248 : i32 to index
        %swap3A_250 = tpu.vector_load %arg7[%swap3A_249] {strides = array<i32>} : memref<13312xi32, #tpu.memory_space<vmem>>, vector<16xi32>,
        tpu.vector_store %arg7[%swap3A_249], %add3A_245 {strides = array<i32>} : memref<13312xi32, #tpu.memory_space<vmem>>, vector<16xi32>,
        %mul3A_251 = arith.constant 8 : i32
        %mul3A_252 = arith.muli %scan3A_154, %mul3A_251 : i32
        %add3A_253 = arith.constant 6 : i32
        %add3A_254 = arith.addi %mul3A_252, %add3A_253 : i32
        %mul3A_255 = arith.constant 16 : i32
        %mul3A_256 = arith.muli %add3A_254, %mul3A_255 : i32
        %get3A_257 = arith.index_cast %scan3A_130 : i32 to index
        %get3A_258 = arith.index_cast %mul3A_256 : i32 to index
        %get3A_259 = tpu.vector_load %arg6[%get3A_257, %get3A_258] {strides = array<i32>} : memref<26x512xi32, #tpu.memory_space<vmem>>, vector<16xi32>,
        %add3A_260 = vector.broadcast %mul3A_133 : i32 to vector<16xi32>
        %add3A_261 = arith.addi %get3A_259, %add3A_260 : vector<16xi32>
        %mul3A_262 = arith.constant 512 : i32
        %mul3A_263 = arith.muli %scan3A_130, %mul3A_262 : i32
        %add3A_264 = arith.addi %mul3A_263, %mul3A_256 : i32
        %swap3A_265 = arith.index_cast %add3A_264 : i32 to index
        %swap3A_266 = tpu.vector_load %arg7[%swap3A_265] {strides = array<i32>} : memref<13312xi32, #tpu.memory_space<vmem>>, vector<16xi32>,
        tpu.vector_store %arg7[%swap3A_265], %add3A_261 {strides = array<i32>} : memref<13312xi32, #tpu.memory_space<vmem>>, vector<16xi32>,
        %mul3A_267 = arith.constant 8 : i32
        %mul3A_268 = arith.muli %scan3A_154, %mul3A_267 : i32
        %add3A_269 = arith.constant 7 : i32
        %add3A_270 = arith.addi %mul3A_268, %add3A_269 : i32
        %mul3A_271 = arith.constant 16 : i32
        %mul3A_272 = arith.muli %add3A_270, %mul3A_271 : i32
        %get3A_273 = arith.index_cast %scan3A_130 : i32 to index
        %get3A_274 = arith.index_cast %mul3A_272 : i32 to index
        %get3A_275 = tpu.vector_load %arg6[%get3A_273, %get3A_274] {strides = array<i32>} : memref<26x512xi32, #tpu.memory_space<vmem>>, vector<16xi32>,
        %add3A_276 = vector.broadcast %mul3A_133 : i32 to vector<16xi32>
        %add3A_277 = arith.addi %get3A_275, %add3A_276 : vector<16xi32>
        %mul3A_278 = arith.constant 512 : i32
        %mul3A_279 = arith.muli %scan3A_130, %mul3A_278 : i32
        %add3A_280 = arith.addi %mul3A_279, %mul3A_272 : i32
        %swap3A_281 = arith.index_cast %add3A_280 : i32 to index
        %swap3A_282 = tpu.vector_load %arg7[%swap3A_281] {strides = array<i32>} : memref<13312xi32, #tpu.memory_space<vmem>>, vector<16xi32>,
        tpu.vector_store %arg7[%swap3A_281], %add3A_277 {strides = array<i32>} : memref<13312xi32, #tpu.memory_space<vmem>>, vector<16xi32>,
        %scan3A_283 = arith.constant 0 : i32
        scf.yield %scan3A_283 : i32
      }
      %scan3A_140 = arith.constant 4 : i32
      %scan3A_141 = arith.constant 0 : i32
      %scan3A_142 = arith.constant 0 : i32
      %mul3A_143 = arith.constant 512 : i32
      %mul3A_144 = arith.muli %scan3A_130, %mul3A_143 : i32
      %mul3A_145 = arith.constant 512 : i32
      %mul3A_146 = arith.muli %scan3A_142, %mul3A_145 : i32
      %add3A_147 = arith.addi %mul3A_144, %mul3A_146 : i32
      %dma_start3A = tpu.memref_slice %arg8[%add3A_147] : memref<13312xf32, #tpu.memory_space<vmem>> -> memref<512xf32, #tpu.memory_space<vmem>>
      %dma_start3A_148 = tpu.memref_slice %arg7[%add3A_147] : memref<13312xi32, #tpu.memory_space<vmem>> -> memref<512xi32, #tpu.memory_space<vmem>>
      %dma_start3A_149 = arith.constant 0 : i32
      %dma_start3A_150 = tpu.memref_slice %arg11[%dma_start3A_149] : memref<1000064xf32, #tpu.memory_space<vmem_shared>> -> memref<1000064xf32, #tpu.memory_space<vmem_shared>>
      tpu.enqueue_indirect_dma source(%dma_start3A_150 : memref<1000064xf32, #tpu.memory_space<vmem_shared>>) target(%dma_start3A : memref<512xf32, #tpu.memory_space<vmem>>) offsets(%dma_start3A_148 : memref<512xi32, #tpu.memory_space<vmem>>) semaphore(%arg14 : memref<!tpu.dma_semaphore, #tpu.memory_space<semaphore_mem>>)
      %scan3A_151 = arith.constant 0 : i32
      %scan3A_152 = arith.constant 1 : i32
      %scan3A_153 = arith.constant 0 : i32
      scf.yield %scan3A_153 : i32
    }
    %scan3A_93 = arith.constant 13 : i32
    %get3A = arith.constant 0 : index
    %get3A_94 = tpu.vector_load %arg10[%get3A] {strides = array<i32>} : memref<16xf32, #tpu.memory_space<vmem>>, vector<16xf32>,
    %slice3A = vector.extract_strided_slice %get3A_94 {offsets = [0], sizes = [1], strides = [1]} : vector<16xf32> to vector<1xf32>
    %squeeze3A = vector.extract %slice3A[0] : f32 from vector<1xf32>
    %dma_wait3A = arith.constant 0 : i32
    %dma_wait3A_95 = arith.constant 0 : i32
    %dma_wait3A_96 = tpu.memref_slice %arg8[%dma_wait3A_95] : memref<13312xf32, #tpu.memory_space<vmem>> -> memref<6656xf32, #tpu.memory_space<vmem>>
    %dma_wait3A_97 = arith.constant 0 : i32
    %dma_wait3A_98 = tpu.memref_slice %arg3[%dma_wait3A, %dma_wait3A_97] : memref<1x1000012xf32, #tpu.memory_space<hbm>> -> memref<1x6656xf32, #tpu.memory_space<hbm>>
    %dma_wait3A_99 = tpu.memref_squeeze %dma_wait3A_98 : memref<1x6656xf32, #tpu.memory_space<hbm>> -> memref<6656xf32, #tpu.memory_space<hbm>>
    %dma_wait3A_100 = arith.constant 0 : i32
    %dma_wait3A_101 = tpu.memref_slice %arg8[%dma_wait3A_100] : memref<13312xf32, #tpu.memory_space<vmem>> -> memref<6656xf32, #tpu.memory_space<vmem>>
    %dma_wait3A_102 = arith.constant 0 : i32
    %dma_wait3A_103 = tpu.memref_slice %arg3[%dma_wait3A, %dma_wait3A_102] : memref<1x1000012xf32, #tpu.memory_space<hbm>> -> memref<1x6656xf32, #tpu.memory_space<hbm>>
    %dma_wait3A_104 = tpu.memref_squeeze %dma_wait3A_103 : memref<1x6656xf32, #tpu.memory_space<hbm>> -> memref<6656xf32, #tpu.memory_space<hbm>>
    tpu.wait_dma2 semaphore(%arg12 : memref<!tpu.dma_semaphore, #tpu.memory_space<semaphore_mem>>) src(%dma_wait3A_104 : memref<6656xf32, #tpu.memory_space<hbm>>) dst(%dma_wait3A_101 : memref<6656xf32, #tpu.memory_space<vmem>>)
    %scan3A_105 = arith.constant 0 : i32
    %scan3A_106 = arith.constant 0 : i32
    %scan3A_107 = arith.constant 32 : i32
    %scan3A_108 = arith.addi %scan3A_106, %scan3A_107 : i32
    %scan3A_109 = arith.constant 1 : i32
    %scan3A_110 = scf.for %scan3A_130 = %scan3A_106 to %scan3A_108 step %scan3A_109 iter_args(%scan3A_131 = %scan3A_105) -> (i32)  : i32 {
      %broadcast_in_dim3A = arith.constant 0.000000e+00 : f32
      %broadcast_in_dim3A_132 = vector.broadcast %broadcast_in_dim3A : f32 to vector<16xf32>
      %add3A_133 = vector.broadcast %squeeze3A : f32 to vector<16xf32>
      %add3A_134 = arith.addf %broadcast_in_dim3A_132, %add3A_133 : vector<16xf32>
      %mul3A_135 = arith.constant 16 : i32
      %mul3A_136 = arith.muli %scan3A_130, %mul3A_135 : i32
      %add3A_137 = arith.constant 0 : i32
      %add3A_138 = arith.addi %add3A_137, %mul3A_136 : i32
      %get3A_139 = arith.index_cast %add3A_138 : i32 to index
      %get3A_140 = tpu.vector_load %arg8[%get3A_139] {strides = array<i32>} : memref<13312xf32, #tpu.memory_space<vmem>>, vector<16xf32>,
      %add3A_141 = arith.addf %add3A_134, %get3A_140 : vector<16xf32>
      %mul3A_142 = arith.constant 16 : i32
      %mul3A_143 = arith.muli %scan3A_130, %mul3A_142 : i32
      %add3A_144 = arith.constant 512 : i32
      %add3A_145 = arith.addi %add3A_144, %mul3A_143 : i32
      %get3A_146 = arith.index_cast %add3A_145 : i32 to index
      %get3A_147 = tpu.vector_load %arg8[%get3A_146] {strides = array<i32>} : memref<13312xf32, #tpu.memory_space<vmem>>, vector<16xf32>,
      %add3A_148 = arith.addf %add3A_141, %get3A_147 : vector<16xf32>
      %mul3A_149 = arith.constant 16 : i32
      %mul3A_150 = arith.muli %scan3A_130, %mul3A_149 : i32
      %add3A_151 = arith.constant 1024 : i32
      %add3A_152 = arith.addi %add3A_151, %mul3A_150 : i32
      %get3A_153 = arith.index_cast %add3A_152 : i32 to index
      %get3A_154 = tpu.vector_load %arg8[%get3A_153] {strides = array<i32>} : memref<13312xf32, #tpu.memory_space<vmem>>, vector<16xf32>,
      %add3A_155 = arith.addf %add3A_148, %get3A_154 : vector<16xf32>
      %mul3A_156 = arith.constant 16 : i32
      %mul3A_157 = arith.muli %scan3A_130, %mul3A_156 : i32
      %add3A_158 = arith.constant 1536 : i32
      %add3A_159 = arith.addi %add3A_158, %mul3A_157 : i32
      %get3A_160 = arith.index_cast %add3A_159 : i32 to index
      %get3A_161 = tpu.vector_load %arg8[%get3A_160] {strides = array<i32>} : memref<13312xf32, #tpu.memory_space<vmem>>, vector<16xf32>,
      %add3A_162 = arith.addf %add3A_155, %get3A_161 : vector<16xf32>
      %mul3A_163 = arith.constant 16 : i32
      %mul3A_164 = arith.muli %scan3A_130, %mul3A_163 : i32
      %add3A_165 = arith.constant 2048 : i32
      %add3A_166 = arith.addi %add3A_165, %mul3A_164 : i32
      %get3A_167 = arith.index_cast %add3A_166 : i32 to index
      %get3A_168 = tpu.vector_load %arg8[%get3A_167] {strides = array<i32>} : memref<13312xf32, #tpu.memory_space<vmem>>, vector<16xf32>,
      %add3A_169 = arith.addf %add3A_162, %get3A_168 : vector<16xf32>
      %mul3A_170 = arith.constant 16 : i32
      %mul3A_171 = arith.muli %scan3A_130, %mul3A_170 : i32
      %add3A_172 = arith.constant 2560 : i32
      %add3A_173 = arith.addi %add3A_172, %mul3A_171 : i32
      %get3A_174 = arith.index_cast %add3A_173 : i32 to index
      %get3A_175 = tpu.vector_load %arg8[%get3A_174] {strides = array<i32>} : memref<13312xf32, #tpu.memory_space<vmem>>, vector<16xf32>,
      %add3A_176 = arith.addf %add3A_169, %get3A_175 : vector<16xf32>
      %mul3A_177 = arith.constant 16 : i32
      %mul3A_178 = arith.muli %scan3A_130, %mul3A_177 : i32
      %add3A_179 = arith.constant 3072 : i32
      %add3A_180 = arith.addi %add3A_179, %mul3A_178 : i32
      %get3A_181 = arith.index_cast %add3A_180 : i32 to index
      %get3A_182 = tpu.vector_load %arg8[%get3A_181] {strides = array<i32>} : memref<13312xf32, #tpu.memory_space<vmem>>, vector<16xf32>,
      %add3A_183 = arith.addf %add3A_176, %get3A_182 : vector<16xf32>
      %mul3A_184 = arith.constant 16 : i32
      %mul3A_185 = arith.muli %scan3A_130, %mul3A_184 : i32
      %add3A_186 = arith.constant 3584 : i32
      %add3A_187 = arith.addi %add3A_186, %mul3A_185 : i32
      %get3A_188 = arith.index_cast %add3A_187 : i32 to index
      %get3A_189 = tpu.vector_load %arg8[%get3A_188] {strides = array<i32>} : memref<13312xf32, #tpu.memory_space<vmem>>, vector<16xf32>,
      %add3A_190 = arith.addf %add3A_183, %get3A_189 : vector<16xf32>
      %mul3A_191 = arith.constant 16 : i32
      %mul3A_192 = arith.muli %scan3A_130, %mul3A_191 : i32
      %add3A_193 = arith.constant 4096 : i32
      %add3A_194 = arith.addi %add3A_193, %mul3A_192 : i32
      %get3A_195 = arith.index_cast %add3A_194 : i32 to index
      %get3A_196 = tpu.vector_load %arg8[%get3A_195] {strides = array<i32>} : memref<13312xf32, #tpu.memory_space<vmem>>, vector<16xf32>,
      %add3A_197 = arith.addf %add3A_190, %get3A_196 : vector<16xf32>
      %mul3A_198 = arith.constant 16 : i32
      %mul3A_199 = arith.muli %scan3A_130, %mul3A_198 : i32
      %add3A_200 = arith.constant 4608 : i32
      %add3A_201 = arith.addi %add3A_200, %mul3A_199 : i32
      %get3A_202 = arith.index_cast %add3A_201 : i32 to index
      %get3A_203 = tpu.vector_load %arg8[%get3A_202] {strides = array<i32>} : memref<13312xf32, #tpu.memory_space<vmem>>, vector<16xf32>,
      %add3A_204 = arith.addf %add3A_197, %get3A_203 : vector<16xf32>
      %mul3A_205 = arith.constant 16 : i32
      %mul3A_206 = arith.muli %scan3A_130, %mul3A_205 : i32
      %add3A_207 = arith.constant 5120 : i32
      %add3A_208 = arith.addi %add3A_207, %mul3A_206 : i32
      %get3A_209 = arith.index_cast %add3A_208 : i32 to index
      %get3A_210 = tpu.vector_load %arg8[%get3A_209] {strides = array<i32>} : memref<13312xf32, #tpu.memory_space<vmem>>, vector<16xf32>,
      %add3A_211 = arith.addf %add3A_204, %get3A_210 : vector<16xf32>
      %mul3A_212 = arith.constant 16 : i32
      %mul3A_213 = arith.muli %scan3A_130, %mul3A_212 : i32
      %add3A_214 = arith.constant 5632 : i32
      %add3A_215 = arith.addi %add3A_214, %mul3A_213 : i32
      %get3A_216 = arith.index_cast %add3A_215 : i32 to index
      %get3A_217 = tpu.vector_load %arg8[%get3A_216] {strides = array<i32>} : memref<13312xf32, #tpu.memory_space<vmem>>, vector<16xf32>,
      %add3A_218 = arith.addf %add3A_211, %get3A_217 : vector<16xf32>
      %mul3A_219 = arith.constant 16 : i32
      %mul3A_220 = arith.muli %scan3A_130, %mul3A_219 : i32
      %add3A_221 = arith.constant 6144 : i32
      %add3A_222 = arith.addi %add3A_221, %mul3A_220 : i32
      %get3A_223 = arith.index_cast %add3A_222 : i32 to index
      %get3A_224 = tpu.vector_load %arg8[%get3A_223] {strides = array<i32>} : memref<13312xf32, #tpu.memory_space<vmem>>, vector<16xf32>,
      %add3A_225 = arith.addf %add3A_218, %get3A_224 : vector<16xf32>
      %mul3A_226 = arith.constant 16 : i32
      %mul3A_227 = arith.muli %scan3A_130, %mul3A_226 : i32
      %swap3A = arith.index_cast %mul3A_227 : i32 to index
      %swap3A_228 = tpu.vector_load %arg9[%swap3A] {strides = array<i32>} : memref<512xf32, #tpu.memory_space<vmem>>, vector<16xf32>,
      tpu.vector_store %arg9[%swap3A], %add3A_225 {strides = array<i32>} : memref<512xf32, #tpu.memory_space<vmem>>, vector<16xf32>,
      %scan3A_229 = arith.constant 0 : i32
      scf.yield %scan3A_229 : i32
    }
    %scan3A_111 = arith.constant 32 : i32
    %dma_wait3A_112 = arith.constant 0 : i32
    %dma_wait3A_113 = arith.constant 0 : i32
    %dma_wait3A_114 = tpu.memref_slice %arg8[%dma_wait3A_113] : memref<13312xf32, #tpu.memory_space<vmem>> -> memref<6656xf32, #tpu.memory_space<vmem>>
    %dma_wait3A_115 = arith.constant 0 : i32
    %dma_wait3A_116 = tpu.memref_slice %arg3[%dma_wait3A_112, %dma_wait3A_115] : memref<1x1000012xf32, #tpu.memory_space<hbm>> -> memref<1x6656xf32, #tpu.memory_space<hbm>>
    %dma_wait3A_117 = tpu.memref_squeeze %dma_wait3A_116 : memref<1x6656xf32, #tpu.memory_space<hbm>> -> memref<6656xf32, #tpu.memory_space<hbm>>
    %dma_wait3A_118 = arith.constant 0 : i32
    %dma_wait3A_119 = tpu.memref_slice %arg8[%dma_wait3A_118] : memref<13312xf32, #tpu.memory_space<vmem>> -> memref<6656xf32, #tpu.memory_space<vmem>>
    %dma_wait3A_120 = arith.constant 0 : i32
    %dma_wait3A_121 = tpu.memref_slice %arg3[%dma_wait3A_112, %dma_wait3A_120] : memref<1x1000012xf32, #tpu.memory_space<hbm>> -> memref<1x6656xf32, #tpu.memory_space<hbm>>
    %dma_wait3A_122 = tpu.memref_squeeze %dma_wait3A_121 : memref<1x6656xf32, #tpu.memory_space<hbm>> -> memref<6656xf32, #tpu.memory_space<hbm>>
    tpu.wait_dma2 semaphore(%arg14 : memref<!tpu.dma_semaphore, #tpu.memory_space<semaphore_mem>>) src(%dma_wait3A_122 : memref<6656xf32, #tpu.memory_space<hbm>>) dst(%dma_wait3A_119 : memref<6656xf32, #tpu.memory_space<vmem>>)
    %scan3A_123 = arith.constant 0 : i32
    %scan3A_124 = arith.constant 0 : i32
    %scan3A_125 = arith.constant 32 : i32
    %scan3A_126 = arith.addi %scan3A_124, %scan3A_125 : i32
    %scan3A_127 = arith.constant 1 : i32
    %scan3A_128 = scf.for %scan3A_130 = %scan3A_124 to %scan3A_126 step %scan3A_127 iter_args(%scan3A_131 = %scan3A_123) -> (i32)  : i32 {
      %mul3A_132 = arith.constant 16 : i32
      %mul3A_133 = arith.muli %scan3A_130, %mul3A_132 : i32
      %get3A_134 = arith.index_cast %mul3A_133 : i32 to index
      %get3A_135 = tpu.vector_load %arg9[%get3A_134] {strides = array<i32>} : memref<512xf32, #tpu.memory_space<vmem>>, vector<16xf32>,
      %mul3A_136 = arith.constant 16 : i32
      %mul3A_137 = arith.muli %scan3A_130, %mul3A_136 : i32
      %add3A_138 = arith.constant 6656 : i32
      %add3A_139 = arith.addi %add3A_138, %mul3A_137 : i32
      %get3A_140 = arith.index_cast %add3A_139 : i32 to index
      %get3A_141 = tpu.vector_load %arg8[%get3A_140] {strides = array<i32>} : memref<13312xf32, #tpu.memory_space<vmem>>, vector<16xf32>,
      %add3A_142 = arith.addf %get3A_135, %get3A_141 : vector<16xf32>
      %mul3A_143 = arith.constant 16 : i32
      %mul3A_144 = arith.muli %scan3A_130, %mul3A_143 : i32
      %add3A_145 = arith.constant 7168 : i32
      %add3A_146 = arith.addi %add3A_145, %mul3A_144 : i32
      %get3A_147 = arith.index_cast %add3A_146 : i32 to index
      %get3A_148 = tpu.vector_load %arg8[%get3A_147] {strides = array<i32>} : memref<13312xf32, #tpu.memory_space<vmem>>, vector<16xf32>,
      %add3A_149 = arith.addf %add3A_142, %get3A_148 : vector<16xf32>
      %mul3A_150 = arith.constant 16 : i32
      %mul3A_151 = arith.muli %scan3A_130, %mul3A_150 : i32
      %add3A_152 = arith.constant 7680 : i32
      %add3A_153 = arith.addi %add3A_152, %mul3A_151 : i32
      %get3A_154 = arith.index_cast %add3A_153 : i32 to index
      %get3A_155 = tpu.vector_load %arg8[%get3A_154] {strides = array<i32>} : memref<13312xf32, #tpu.memory_space<vmem>>, vector<16xf32>,
      %add3A_156 = arith.addf %add3A_149, %get3A_155 : vector<16xf32>
      %mul3A_157 = arith.constant 16 : i32
      %mul3A_158 = arith.muli %scan3A_130, %mul3A_157 : i32
      %add3A_159 = arith.constant 8192 : i32
      %add3A_160 = arith.addi %add3A_159, %mul3A_158 : i32
      %get3A_161 = arith.index_cast %add3A_160 : i32 to index
      %get3A_162 = tpu.vector_load %arg8[%get3A_161] {strides = array<i32>} : memref<13312xf32, #tpu.memory_space<vmem>>, vector<16xf32>,
      %add3A_163 = arith.addf %add3A_156, %get3A_162 : vector<16xf32>
      %mul3A_164 = arith.constant 16 : i32
      %mul3A_165 = arith.muli %scan3A_130, %mul3A_164 : i32
      %add3A_166 = arith.constant 8704 : i32
      %add3A_167 = arith.addi %add3A_166, %mul3A_165 : i32
      %get3A_168 = arith.index_cast %add3A_167 : i32 to index
      %get3A_169 = tpu.vector_load %arg8[%get3A_168] {strides = array<i32>} : memref<13312xf32, #tpu.memory_space<vmem>>, vector<16xf32>,
      %add3A_170 = arith.addf %add3A_163, %get3A_169 : vector<16xf32>
      %mul3A_171 = arith.constant 16 : i32
      %mul3A_172 = arith.muli %scan3A_130, %mul3A_171 : i32
      %add3A_173 = arith.constant 9216 : i32
      %add3A_174 = arith.addi %add3A_173, %mul3A_172 : i32
      %get3A_175 = arith.index_cast %add3A_174 : i32 to index
      %get3A_176 = tpu.vector_load %arg8[%get3A_175] {strides = array<i32>} : memref<13312xf32, #tpu.memory_space<vmem>>, vector<16xf32>,
      %add3A_177 = arith.addf %add3A_170, %get3A_176 : vector<16xf32>
      %mul3A_178 = arith.constant 16 : i32
      %mul3A_179 = arith.muli %scan3A_130, %mul3A_178 : i32
      %add3A_180 = arith.constant 9728 : i32
      %add3A_181 = arith.addi %add3A_180, %mul3A_179 : i32
      %get3A_182 = arith.index_cast %add3A_181 : i32 to index
      %get3A_183 = tpu.vector_load %arg8[%get3A_182] {strides = array<i32>} : memref<13312xf32, #tpu.memory_space<vmem>>, vector<16xf32>,
      %add3A_184 = arith.addf %add3A_177, %get3A_183 : vector<16xf32>
      %mul3A_185 = arith.constant 16 : i32
      %mul3A_186 = arith.muli %scan3A_130, %mul3A_185 : i32
      %add3A_187 = arith.constant 10240 : i32
      %add3A_188 = arith.addi %add3A_187, %mul3A_186 : i32
      %get3A_189 = arith.index_cast %add3A_188 : i32 to index
      %get3A_190 = tpu.vector_load %arg8[%get3A_189] {strides = array<i32>} : memref<13312xf32, #tpu.memory_space<vmem>>, vector<16xf32>,
      %add3A_191 = arith.addf %add3A_184, %get3A_190 : vector<16xf32>
      %mul3A_192 = arith.constant 16 : i32
      %mul3A_193 = arith.muli %scan3A_130, %mul3A_192 : i32
      %add3A_194 = arith.constant 10752 : i32
      %add3A_195 = arith.addi %add3A_194, %mul3A_193 : i32
      %get3A_196 = arith.index_cast %add3A_195 : i32 to index
      %get3A_197 = tpu.vector_load %arg8[%get3A_196] {strides = array<i32>} : memref<13312xf32, #tpu.memory_space<vmem>>, vector<16xf32>,
      %add3A_198 = arith.addf %add3A_191, %get3A_197 : vector<16xf32>
      %mul3A_199 = arith.constant 16 : i32
      %mul3A_200 = arith.muli %scan3A_130, %mul3A_199 : i32
      %add3A_201 = arith.constant 11264 : i32
      %add3A_202 = arith.addi %add3A_201, %mul3A_200 : i32
      %get3A_203 = arith.index_cast %add3A_202 : i32 to index
      %get3A_204 = tpu.vector_load %arg8[%get3A_203] {strides = array<i32>} : memref<13312xf32, #tpu.memory_space<vmem>>, vector<16xf32>,
      %add3A_205 = arith.addf %add3A_198, %get3A_204 : vector<16xf32>
      %mul3A_206 = arith.constant 16 : i32
      %mul3A_207 = arith.muli %scan3A_130, %mul3A_206 : i32
      %add3A_208 = arith.constant 11776 : i32
      %add3A_209 = arith.addi %add3A_208, %mul3A_207 : i32
      %get3A_210 = arith.index_cast %add3A_209 : i32 to index
      %get3A_211 = tpu.vector_load %arg8[%get3A_210] {strides = array<i32>} : memref<13312xf32, #tpu.memory_space<vmem>>, vector<16xf32>,
      %add3A_212 = arith.addf %add3A_205, %get3A_211 : vector<16xf32>
      %mul3A_213 = arith.constant 16 : i32
      %mul3A_214 = arith.muli %scan3A_130, %mul3A_213 : i32
      %add3A_215 = arith.constant 12288 : i32
      %add3A_216 = arith.addi %add3A_215, %mul3A_214 : i32
      %get3A_217 = arith.index_cast %add3A_216 : i32 to index
      %get3A_218 = tpu.vector_load %arg8[%get3A_217] {strides = array<i32>} : memref<13312xf32, #tpu.memory_space<vmem>>, vector<16xf32>,
      %add3A_219 = arith.addf %add3A_212, %get3A_218 : vector<16xf32>
      %mul3A_220 = arith.constant 16 : i32
      %mul3A_221 = arith.muli %scan3A_130, %mul3A_220 : i32
      %add3A_222 = arith.constant 12800 : i32
      %add3A_223 = arith.addi %add3A_222, %mul3A_221 : i32
      %get3A_224 = arith.index_cast %add3A_223 : i32 to index
      %get3A_225 = tpu.vector_load %arg8[%get3A_224] {strides = array<i32>} : memref<13312xf32, #tpu.memory_space<vmem>>, vector<16xf32>,
      %add3A_226 = arith.addf %add3A_219, %get3A_225 : vector<16xf32>
      %mul3A_227 = arith.constant 16 : i32
      %mul3A_228 = arith.muli %scan3A_130, %mul3A_227 : i32
      %swap3A = arith.index_cast %mul3A_228 : i32 to index
      %swap3A_229 = tpu.vector_load %arg9[%swap3A] {strides = array<i32>} : memref<512xf32, #tpu.memory_space<vmem>>, vector<16xf32>,
      tpu.vector_store %arg9[%swap3A], %add3A_226 {strides = array<i32>} : memref<512xf32, #tpu.memory_space<vmem>>, vector<16xf32>,
      %scan3A_230 = arith.constant 0 : i32
      scf.yield %scan3A_230 : i32
    }
    %scan3A_129 = arith.constant 32 : i32
    "tpu.region"() ({
      %run_scoped3A = tpu.sem_alloc : memref<!tpu.dma_semaphore, #tpu.memory_space<semaphore_mem>>
      %dma_start3A = tpu.memref_slice %arg5[%mul3A_2] : memref<16384xf32, #tpu.memory_space<hbm>> -> memref<512xf32, #tpu.memory_space<hbm>>
      %dma_start3A_130 = tpu.memref_slice %arg5[%mul3A_2] : memref<16384xf32, #tpu.memory_space<hbm>> -> memref<512xf32, #tpu.memory_space<hbm>>
      tpu.enqueue_dma source(%arg9 : memref<512xf32, #tpu.memory_space<vmem>>) target(%dma_start3A_130 : memref<512xf32, #tpu.memory_space<hbm>>) target_semaphore(%run_scoped3A : memref<!tpu.dma_semaphore, #tpu.memory_space<semaphore_mem>>)
      %dma_wait3A_131 = tpu.memref_slice %arg5[%mul3A_2] : memref<16384xf32, #tpu.memory_space<hbm>> -> memref<512xf32, #tpu.memory_space<hbm>>
      %dma_wait3A_132 = tpu.memref_slice %arg5[%mul3A_2] : memref<16384xf32, #tpu.memory_space<hbm>> -> memref<512xf32, #tpu.memory_space<hbm>>
      tpu.wait_dma2 semaphore(%run_scoped3A : memref<!tpu.dma_semaphore, #tpu.memory_space<semaphore_mem>>) src(%arg9 : memref<512xf32, #tpu.memory_space<vmem>>) dst(%dma_wait3A_132 : memref<512xf32, #tpu.memory_space<hbm>>)
      tpu.yield
    }) : () -> ()
    return
  }
}

</mosaic_0001>

<sc_bundles>
// kernel: kernel.3.cloned.1.call-start
scs
__scs_entry_jumppad:
0x0: {  	(pc) =	sbr.rel $0x88, $3  }
0x1: {  	(tag) =	ssettag $0x0;
	lr =	simm.s32 $0x1  }
0x2: {  	[smem:$0x3F9E] =	sst lr;
	_ =	strace $0xD0000000  }
0x3: {  	_ = 	snop  }
0x4: {  	_ = 	snop  }
0x5: {  	_ = 	snop  }
0x6: {  	_ = 	snop  }
0x7: {  	_ = 	snop  }
__scs_overlays_trampoline_lowered:
0x8: {  	[smem:$0x3FAD] =	sst s0  }
0x9: {  	[smem:$0x3FAE] =	sst s1  }
0xa: {  	[smem:$0x3FAF] =	sst s2  }
0xb: {  	[smem:$0x3FB0] =	sst s3  }
0xc: {  	[smem:$0x3FB1] =	sst s4  }
0xd: {  	[smem:$0x3FB2] =	sst s5  }
0xe: {  	[smem:$0x3FB3] =	sst s6  }
0xf: {  	[smem:$0x3FB4] =	sst s7  }
0x10: {  	[smem:$0x3FB5] =	sst s8  }
0x11: {  	[smem:$0x3FB6] =	sst s9;
	s0 =	simm.s32 @!p0 $0x0  }
0x12: {  	s1 =	sld [smem:$0x3F9C];
	s0 =	simm.s32 @p0 $0x1  }
0x13: {  	[smem:$0x3FB7] =	sst s0;
	s0 =	simm.s32 @!p1 $0x0  }
0x14: {  	s2 =	sld [smem:$0x3F9B];
	s0 =	simm.s32 @p1 $0x1  }
0x15: {  	[smem:$0x3FB8] =	sst s0;
	s0 =	simm.s32 @!p2 $0x0  }
0x16: {  	s3 =	sld [smem:$0x3FDB];
	s0 =	simm.s32 @p2 $0x1  }
0x17: {  	s4 =	simm.s32 $0x1BF5;
	[smem:$0x3FBA] =	sst s0  }
0x18: {  	s0 =	sld [smem:$0x3F9D];
	_ =	swait.ge [sflag:s4], $0x0  }
0x19: {  	s7 =	sld [smem:$0x3F9E]  }
0x1a: {  	s8 =	sadd.s32 $0xFFFFE003, lr  }
0x1b: {  	s9 =	sadd.s32 $0xFFFFFEF7, lr;
	s5 =	simm.s32 $0xFFFFFFFF;
	p2 =	slt.u32 s8, $0xFFFFF086  }
0x1c: {  	p1 =	slt.u32 s9, $0xF7A;
	s5 =	simm.s32 @!p2 $0x0  }
0x1d: {  	s5 =	simm.s32 @p1 $0x1;
	p0 =	seq.s32 s7, s2  }
0x1e: {  	s7 =	smul.u32 @!p0 $0xF7A, s2;
	p2 =	seq.s32 @!p0 s5, $0x0  }
0x1f: {  	s9 =	smul.u32 $0xF7A, s1;
	s8 =	simm.s32 @!p0 $0x1BF5;
	p2 =	por !p2, p0  }
0x20: {  	[sflag:s8] =	ssyncset.s32 @!p0 $0xFFFFF086;
	s6 =	sadd.s32 @!p0 s3, s7;
	s7 =	simm.s32 @!p0 $0x108  }
0x21: {  	s3 =	sadd.s32 s3, s9;
	s6 =	sadd.s32 @!p0 $0x88, s6;
	s7 =	simm.s32 @p2 $0x1082  }
0x22: {  	[simem:s7], [sflag:s8] =	dma.local @!p0 [hbm:s6], $0xF7A  }
0x23: {  	s9 =	sor.u32 $0xD0000000, s2;
	s6 =	simm.s32 $0x108;
	_ =	swait.ge @!p0 [sflag:s8], $0x0  }
0x24: {  	s3 =	sadd.s32 $0x88, s3;
	s6 =	simm.s32 @!p1 $0x1082;
	[sflag:s4] =	ssyncset.s32 $0xFFFFF086  }
0x25: {  	[simem:s6], [sflag:s4] =	dma.local [hbm:s3], $0xF7A  }
0x26: {  	[smem:$0x3F9E] =	sst s1;
	(tag) =	ssettag s2;
	_ =	strace s9  }
0x27: {  	s1 =	sld [smem:$0x3FAE]  }
0x28: {  	s2 =	sld [smem:$0x3FAF]  }
0x29: {  	s4 =	sld [smem:$0x3FB1]  }
0x2a: {  	p0 =	seq.s32 s5, $0x0;
	s5 =	sld [smem:$0x3FB2]  }
0x2b: {  	s6 =	sld [smem:$0x3FB3]  }
0x2c: {  	s7 =	sld [smem:$0x3FB4]  }
0x2d: {  	s3 =	simm.s32 $0x108;
	s8 =	sld [smem:$0x3FB5]  }
0x2e: {  	s3 =	simm.s32 @!p0 $0x1082;
	s9 =	sld [smem:$0x3FB6]  }
0x2f: {  	lr =	sadd.s32 s0, s3;
	s0 =	sld [smem:$0x3FAD]  }
0x30: {  	s3 =	sld [smem:$0x3FB0]  }
0x31: {  	[smem:$0x3FB9] =	sst s10  }
0x32: {  	s10 =	sld [smem:$0x3FB7];
	_ =	sdelay $0x3  }
0x33: {  	p0 =	seq.s32 s10, $0x1;
	s10 =	sld [smem:$0x3FB9];
	_ =	sdelay $0x3  }
0x34: {  	[smem:$0x3FB9] =	sst s10  }
0x35: {  	s10 =	sld [smem:$0x3FB8];
	_ =	sdelay $0x3  }
0x36: {  	p1 =	seq.s32 s10, $0x1;
	s10 =	sld [smem:$0x3FB9];
	_ =	sdelay $0x3  }
0x37: {  	[smem:$0x3FB9] =	sst s10  }
0x38: {  	s10 =	sld [smem:$0x3FBA]  }
0x39: {  	_ = 	snop;
	(pc) =	sbr.ind lr, $3  }
0x3a: {  	_ = 	snop  }
0x3b: {  	_ = 	snop  }
0x3c: {  	p2 =	seq.s32 s10, $0x1;
	s10 =	sld [smem:$0x3FB9]  }
0x3d: {  	_ =	shalt  }
0x3e: {  	_ =	shalt  }
0x3f: {  	_ =	shalt  }
0x40: {  	_ =	shalt  }
0x41: {  	_ =	shalt  }
0x42: {  	_ =	shalt  }
0x43: {  	_ =	shalt  }
0x44: {  	_ =	shalt  }
0x45: {  	_ =	shalt  }
0x46: {  	_ =	shalt  }
0x47: {  	_ =	shalt  }
0x48: {  	_ =	shalt  }
0x49: {  	_ =	shalt  }
0x4a: {  	_ =	shalt  }
0x4b: {  	_ =	shalt  }
0x4c: {  	_ =	shalt  }
0x4d: {  	_ =	shalt  }
0x4e: {  	_ =	shalt  }
0x4f: {  	_ =	shalt  }
0x50: {  	_ =	shalt  }
0x51: {  	_ =	shalt  }
0x52: {  	_ =	shalt  }
0x53: {  	_ =	shalt  }
0x54: {  	_ =	shalt  }
0x55: {  	_ =	shalt  }
0x56: {  	_ =	shalt  }
0x57: {  	_ =	shalt  }
0x58: {  	_ =	shalt  }
0x59: {  	_ =	shalt  }
0x5a: {  	_ =	shalt  }
0x5b: {  	_ =	shalt  }
0x5c: {  	_ =	shalt  }
0x5d: {  	_ =	shalt  }
0x5e: {  	_ =	shalt  }
0x5f: {  	_ =	shalt  }
0x60: {  	_ =	shalt  }
0x61: {  	_ =	shalt  }
0x62: {  	_ =	shalt  }
0x63: {  	_ =	shalt  }
0x64: {  	_ =	shalt  }
0x65: {  	_ =	shalt  }
0x66: {  	_ =	shalt  }
0x67: {  	_ =	shalt  }
0x68: {  	_ =	shalt  }
0x69: {  	_ =	shalt  }
0x6a: {  	_ =	shalt  }
0x6b: {  	_ =	shalt  }
0x6c: {  	_ =	shalt  }
0x6d: {  	_ =	shalt  }
0x6e: {  	_ =	shalt  }
0x6f: {  	_ =	shalt  }
0x70: {  	_ =	shalt  }
0x71: {  	_ =	shalt  }
0x72: {  	_ =	shalt  }
0x73: {  	_ =	shalt  }
0x74: {  	_ =	shalt  }
0x75: {  	_ =	shalt  }
0x76: {  	_ =	shalt  }
0x77: {  	_ =	shalt  }
0x78: {  	_ =	shalt  }
0x79: {  	_ =	shalt  }
0x7a: {  	_ =	shalt  }
0x7b: {  	_ =	shalt  }
0x7c: {  	_ =	shalt  }
0x7d: {  	_ =	shalt  }
0x7e: {  	_ =	shalt  }
0x7f: {  	_ =	shalt  }
0x80: {  	_ =	shalt  }
0x81: {  	_ =	shalt  }
0x82: {  	_ =	shalt  }
0x83: {  	_ =	shalt  }
0x84: {  	_ =	shalt  }
0x85: {  	_ =	shalt  }
0x86: {  	_ =	shalt  }
0x87: {  	_ =	shalt  }
.Lfunc_end0:
.L_simem_size_0:
called_computation_lowered:
.L_overlay_start_0:
0x88: {  	s2 =	sld [smem:$0x3FD9]  }
0x89: {  	s3 =	sld [smem:$0x3FFE];
	_ =	sdelay $0x1  }
0x8a: {  	s1 =	srdreg.scid  }
0x8b: {  	s0 =	sand.u32 $0x1, s1  }
0x8c: {  	s18 =	sshll.u32 s0, $0xA;
	s2 =	sadd.s32 s3, s2  }
0x8d: {  	s2 =	sadd.s32 s2, s18  }
0x8e: {  	[smem:$0x3FC5] =	sst s2  }
0x8f: {  	_ = 	snop  }
0x90: {  	s2 =	sld [smem:$0x3FC9]  }
0x91: {  	s19 =	sld [smem:$0x3FC8]  }
0x92: {  	s4 =	sld [smem:$0x3FC7]  }
0x93: {  	s5 =	sld [smem:$0x3FD0];
	(tm) =	ssettm $0x1  }
0x94: {  	s6 =	sld [smem:$0x3FFB];
	_ =	sdelay $0x3  }
0x95: {  	_ =	strace s6  }
0x96: {  	s6 =	sld [smem:$0x3FFC];
	_ =	sdelay $0x3  }
0x97: {  	_ =	strace s6  }
0x98: {  	s6 =	sld [smem:$0x3FFD];
	_ =	sdelay $0x3  }
0x99: {  	_ =	strace s6  }
0x9a: {  	_ =	strace $0x8FFFFFFF  }
0x9b: {  	s20 =	sld [smem:$0x3FDB];
	_ =	sdelay $0x1  }
0x9c: {  	s7 =	simm.s32 $_scs_section_size  }
0x9d: {  	s8 =	simm.s32 $_size__tile_overlayer_lowered;
	s9 =	simm.s32 $_tile_overlayer_lowered  }
0x9e: {  	s23 =	simm.s32 $0x1BFF;
	s22 =	sshll.u32 s9, $0x1;
	s6 =	sadd.s32 s7, s20  }
0x9f: {  	s10 =	simm.s32 $0x0;
	s21 =	sshll.u32 s8, $0x1;
	s8 =	sadd.s32 s22, s6  }
0xa0: {  	[timem:s10], [sflag:s23] =	dma.local [hbm:s8], s21  }
0xa1: {  	_ =	swait.ge [sflag:s23], s21  }
0xa2: {  	s7 =	ssub.s32 $0x0, s21;
	[sflag:s23] =	ssyncset.done $0x0  }
0xa3: {  	[sflag:s23] =	ssyncadd.s32 s7;
	_ =	sdelay $0x1  }
0xa4: {  	s24 =	simm.s32 $0x1B8B  }
0xa5: {  	_ =	swait.ge [sflag:s24], $0x1  }
0xa6: {  	[sflag:s24] =	ssyncset.done $0x0  }
0xa7: {  	s25 =	simm.s32 $0x1B8E;
	[sflag:s24] =	ssyncadd.s32 $0xFFFFFFFF  }
0xa8: {  	s26 =	simm.s32 $execute0_lowered;
	[smem:$0x3FD2] =	sst s25  }
0xa9: {  	s7 =	sshll.u32 s26, $0x1;
	_ =	strace $0x80000046;
	[dreg:$0x1] =	wrdreg $0xFFFFFFFF  }
0xaa: {  	s28 =	simm.s32 $_size_execute0_lowered;
	s6 =	sadd.s32 s6, s7;
	[dreg:$0x0] =	wrdreg $0x0  }
0xab: {  	s7 =	sshll.u32 s28, $0x1;
	[dreg:$0x2] =	wrdreg s6  }
0xac: {  	[dreg:$0x3] =	wrdreg s7  }
0xad: {  	[dreg:$0x4] =	wrdreg $0xC0  }
0xae: {  	_ =	task [dreg:s10], $0x5FFFF  }
0xaf: {  	[dreg:$0x1] =	wrdreg $0xFFFFFFFF  }
0xb0: {  	[dreg:$0x0] =	wrdreg $0x60  }
0xb1: {  	[dreg:$0x2] =	wrdreg s2  }
0xb2: {  	[dreg:$0x3] =	wrdreg s19  }
0xb3: {  	[dreg:$0x4] =	wrdreg s4  }
0xb4: {  	[dreg:$0x5] =	wrdreg s5  }
0xb5: {  	[dreg:$0x6] =	wrdreg $0xAA800  }
0xb6: {  	[dreg:$0x7] =	wrdreg $0x9  }
0xb7: {  	_ =	task.clear_ibuf [dreg:s10], $0x8FFFF;
	_ =	strace $0x90000046  }
0xb8: {  	s29 =	simm.s32 $0x9;
	_ =	strace $0x80000048  }
0xb9: {  	_ =	swait.ge [sflag:s29], $0x1  }
0xba: {  	[sflag:s29] =	ssyncadd.s32 $0xFFFFFFFF  }
0xbb: {  	_ =	strace $0x90000048  }
0xbc: {  	_ =	sfence  }
0xbd: {  	s30 =	sld [smem:$0x0];
	_ =	sdelay $0x2  }
0xbe: {  	s31 =	sshll.u32 s1, $0xD;
	s1 =	sshrl.u32 s1, $0x2  }
0xbf: {  	s3 =	sand.u32 $0x4000, s31;
	s1 =	sadd.s32 s1, s30  }
0xc0: {  	s0 =	sor.u32 s3, s0;
	s1 =	sshll.u32 s1, $0x11  }
0xc1: {  	s0 =	sor.u32 s1, s0  }
0xc2: {  	s0 =	sadd.s32 $0x8F2B, s0  }
0xc3: {  	[sflag:s0] =	ssyncadd.remote.s32 $0x1  }
0xc4: {  	_ =	sfence.sel $0xFFFF  }
0xc5: {  	[dreg:$0x0] =	wrdreg $0xFFFFFFFF;
	(pc) =	sbr.abs _section_cstart, $3  }
0xc6: {  	[dreg:$0x1] =	wrdreg $0xFFFFFFFF  }
0xc7: {  	_ =	task.clear_ibuf [dreg:s10], $0x2FFFF;
	_ =	strace $0x9FFFFFFF  }
0xc8: {  	(tm) =	ssettm $0x7FFFFFFF  }
0xc9: {  	_ =	shalt  }
tec
execute0_lowered:
.L_overlay_start_1:
0x0: {  	(tag) =	ssettag $0x1  }
0x1: {  	s0 =	rddreg [dreg:$0x0]  }
0x2: {  	s1 =	rddreg [dreg:$0x1]  }
0x3: {  	s3 =	rddreg [dreg:$0x3]  }
0x4: {  	s2 =	rddreg [dreg:$0x4];
	s4 =	simm.s32 $0x0;
	s5 =	srdreg.scid  }
0x5: {  	s14 =	stileid.u32;
	s19 =	simm.s32 $0x5;
	s31 =	simm.s32 $0x200  }
0x6: {  	s18 =	simm.s32 $0x0;
	[smem:$0x7FF] =	sst s4;
	s5 =	sand.u32 $0x1, s5  }
0x7: {  	s7 =	smul.u32 $0x7A00, s14;
	s9 =	sshll.u32 s14, $0xA;
	s12 =	sadd.s32 $0x72600, s2  }
0x8: {  	s13 =	sadd.s32 $0xEC700, s2;
	p0 =	seq.s32 s14, $0xF;
	_ =	strace $0x80000047  }
0x9: {  	s6 =	ssub.s32 $0x2, s5;
	s5 =	sshll.u32 s5, $0x9;
	s12 =	sshrl.u32 @p0 s12, $0x3  }
0xa: {  	s13 =	sshrl.u32 @p0 s13, $0x3;
	s8 =	sshrl.u32 s6, $0x1;
	s10 =	sor.u32 s5, s9  }
0xb: {  	s26 =	sadd.s32 $0x7A100, s7;
	s15 =	sadd.s32 s7, s2;
	s28 =	sshrl.u32 s7, $0x3  }
0xc: {  	s7 =	sadd.s32 $0xE4C0, s1;
	s11 =	ssub.s32 s6, s8;
	s29 =	sshrl.u32 s26, $0x3  }
0xd: {  	s5 =	sadd.s32 s1, s28;
	s17 =	sadd.s32 s26, s2;
	s8 =	sadd.s32 $0x1D8E0, s1  }
0xe: {  	s9 =	sadd.s32 s0, s10;
	s30 =	sshrl.u32 s10, $0x3;
	s0 =	sshll.u32 @!p0 s14, $0x6  }
0xf: {  	s15 =	sshrl.u32 @!p0 s15, $0x3;
	s6 =	sadd.s32 s1, s29;
	s10 =	sadd.s32 s3, s30  }
0x10: {  	s11 =	smax.u32 s11, $0x1;
	s14 =	sor.u32 @!p0 $0x1C02, s0;
	s16 =	sor.u32 @!p0 $0x1C04, s0  }
0x11: {  	s17 =	sshrl.u32 @!p0 s17, $0x3;
	s0 =	simm.s32 $0x1;
	s3 =	simm.s32 $0x3  }
.LBB2_1:
0x12: {  	s1 =	simm.s32 @p0 $0x1FC2  }
0x13: {  	[spmem:s12], [sflag:s1] =	dma.local @p0 [hbm:s7], $0xF70  }
0x14: {  	s1 =	simm.s32 @p0 $0x1FC4  }
0x15: {  	[spmem:s13], [sflag:s1] =	dma.local @p0 [hbm:s8], $0xF70  }
0x16: {  	[spmem:s15], [sflag:s14] =	dma.local @!p0 [hbm:s5], $0xF40  }
0x17: {  	[spmem:s17], [sflag:s16] =	dma.local @!p0 [hbm:s6], $0xF40  }
0x18: {  	s20 =	simm.s32 $0xAA00;
	s28 =	rddreg [dreg:$0x2]  }
0x19: {  	[tilespmem:s20], [sflag:$0x5] =	stream.linear.gather [hbm4b:s28+s4], $0x1, $0x38;
	[tilespmem:$0x19EA8] =	vst v63  }
0x1a: {  	_ =	swait.ge [sflag:s19], $0x1  }
0x1b: {  	[sflag:s19] =	ssyncset.done $0x0  }
0x1c: {  	s29 =	simm.s32 $0x1000;
	s30 =	simm.s32 $0x20000;
	[sflag:s19] =	ssyncadd.s32 $0xFFFFFFFF  }
0x1d: {  	[tilespmem:s4], [sflag:$0x5] =	stream.strided.gather [hbm4b:s9+s29], $0x4000, s30, s29, $0x38;
	[tilespmem:$0x19EA8] =	vst v63  }
0x1e: {  	_ =	swait.ge [sflag:s19], $0x4000  }
0x1f: {  	[sflag:s19] =	ssyncset.done $0x0  }
0x20: {  	s21 =	simm.s32 $0x800;
	[sflag:s19] =	ssyncadd.s32 $0xFFFFC000  }
0x21: {  	v0 =	vld [tilespmem:s21+$0xFFFFF800];
	_ =	sdelay $0x4  }
0x22: {  	s20 =	simm.s32 $0x4100;
	v0 =	vadd.s32 s4, v0  }
0x23: {  	[tilespmem:s20+$0xFFFFFF00] =	vst v0  }
0x24: {  	v0 =	vld [tilespmem:s21+$0xFFFFF810];
	_ =	sdelay $0x4  }
0x25: {  	v0 =	vadd.s32 s4, v0  }
0x26: {  	[tilespmem:s20+$0xFFFFFF10] =	vst v0  }
0x27: {  	v0 =	vld [tilespmem:s21+$0xFFFFF820];
	_ =	sdelay $0x4  }
0x28: {  	v0 =	vadd.s32 s4, v0  }
0x29: {  	[tilespmem:s20+$0xFFFFFF20] =	vst v0  }
0x2a: {  	v0 =	vld [tilespmem:s21+$0xFFFFF830];
	_ =	sdelay $0x4  }
0x2b: {  	v0 =	vadd.s32 s4, v0  }
0x2c: {  	[tilespmem:s20+$0xFFFFFF30] =	vst v0  }
0x2d: {  	v0 =	vld [tilespmem:s21+$0xFFFFF840];
	_ =	sdelay $0x4  }
0x2e: {  	v0 =	vadd.s32 s4, v0  }
0x2f: {  	[tilespmem:s20+$0xFFFFFF40] =	vst v0  }
0x30: {  	v0 =	vld [tilespmem:s21+$0xFFFFF850];
	_ =	sdelay $0x4  }
0x31: {  	v0 =	vadd.s32 s4, v0  }
0x32: {  	[tilespmem:s20+$0xFFFFFF50] =	vst v0  }
0x33: {  	v0 =	vld [tilespmem:s21+$0xFFFFF860];
	_ =	sdelay $0x4  }
0x34: {  	v0 =	vadd.s32 s4, v0  }
0x35: {  	[tilespmem:s20+$0xFFFFFF60] =	vst v0  }
0x36: {  	v0 =	vld [tilespmem:s21+$0xFFFFF870];
	_ =	sdelay $0x4  }
0x37: {  	v0 =	vadd.s32 s4, v0  }
0x38: {  	[tilespmem:s20+$0xFFFFFF70] =	vst v0  }
0x39: {  	v0 =	vld [tilespmem:s21+$0xFFFFFC00];
	_ =	sdelay $0x4  }
0x3a: {  	v0 =	vadd.s32 s4, v0  }
0x3b: {  	[tilespmem:s20+$0xFFFFFF80] =	vst v0  }
0x3c: {  	v0 =	vld [tilespmem:s21+$0xFFFFFC10];
	_ =	sdelay $0x4  }
0x3d: {  	v0 =	vadd.s32 s4, v0  }
0x3e: {  	[tilespmem:s20+$0xFFFFFF90] =	vst v0  }
0x3f: {  	v0 =	vld [tilespmem:s21+$0xFFFFFC20];
	_ =	sdelay $0x4  }
0x40: {  	v0 =	vadd.s32 s4, v0  }
0x41: {  	[tilespmem:s20+$0xFFFFFFA0] =	vst v0  }
0x42: {  	v0 =	vld [tilespmem:s21+$0xFFFFFC30];
	_ =	sdelay $0x4  }
0x43: {  	v0 =	vadd.s32 s4, v0  }
0x44: {  	[tilespmem:s20+$0xFFFFFFB0] =	vst v0  }
0x45: {  	v0 =	vld [tilespmem:s21+$0xFFFFFC40];
	_ =	sdelay $0x4  }
0x46: {  	v0 =	vadd.s32 s4, v0  }
0x47: {  	[tilespmem:s20+$0xFFFFFFC0] =	vst v0  }
0x48: {  	v0 =	vld [tilespmem:s21+$0xFFFFFC50];
	_ =	sdelay $0x4  }
0x49: {  	v0 =	vadd.s32 s4, v0  }
0x4a: {  	[tilespmem:s20+$0xFFFFFFD0] =	vst v0  }
0x4b: {  	v0 =	vld [tilespmem:s21+$0xFFFFFC60];
	_ =	sdelay $0x4  }
0x4c: {  	v0 =	vadd.s32 s4, v0  }
0x4d: {  	[tilespmem:s20+$0xFFFFFFE0] =	vst v0  }
0x4e: {  	v0 =	vld [tilespmem:s21+$0xFFFFFC70];
	_ =	sdelay $0x4  }
0x4f: {  	v0 =	vadd.s32 s4, v0  }
0x50: {  	[tilespmem:s20+$0xFFFFFFF0] =	vst v0  }
0x51: {  	v0 =	vld [tilespmem:s21+$0x0];
	_ =	sdelay $0x4  }
0x52: {  	v0 =	vadd.s32 s4, v0  }
0x53: {  	[tilespmem:s20+$0x0] =	vst v0  }
0x54: {  	v0 =	vld [tilespmem:s21+$0x10];
	_ =	sdelay $0x4  }
0x55: {  	v0 =	vadd.s32 s4, v0  }
0x56: {  	[tilespmem:s20+$0x10] =	vst v0  }
0x57: {  	v0 =	vld [tilespmem:s21+$0x20];
	_ =	sdelay $0x4  }
0x58: {  	v0 =	vadd.s32 s4, v0  }
0x59: {  	[tilespmem:s20+$0x20] =	vst v0  }
0x5a: {  	v0 =	vld [tilespmem:s21+$0x30];
	_ =	sdelay $0x4  }
0x5b: {  	v0 =	vadd.s32 s4, v0  }
0x5c: {  	[tilespmem:s20+$0x30] =	vst v0  }
0x5d: {  	v0 =	vld [tilespmem:s21+$0x40];
	_ =	sdelay $0x4  }
0x5e: {  	v0 =	vadd.s32 s4, v0  }
0x5f: {  	[tilespmem:s20+$0x40] =	vst v0  }
0x60: {  	v0 =	vld [tilespmem:s21+$0x50];
	_ =	sdelay $0x4  }
0x61: {  	v0 =	vadd.s32 s4, v0  }
0x62: {  	[tilespmem:s20+$0x50] =	vst v0  }
0x63: {  	v0 =	vld [tilespmem:s21+$0x60];
	_ =	sdelay $0x4  }
0x64: {  	v0 =	vadd.s32 s4, v0  }
0x65: {  	[tilespmem:s20+$0x60] =	vst v0  }
0x66: {  	v0 =	vld [tilespmem:s21+$0x70];
	_ =	sdelay $0x4  }
0x67: {  	v0 =	vadd.s32 s4, v0  }
0x68: {  	[tilespmem:s20+$0x70] =	vst v0  }
0x69: {  	v0 =	vld [tilespmem:s21+$0x400];
	_ =	sdelay $0x4  }
0x6a: {  	v0 =	vadd.s32 s4, v0  }
0x6b: {  	[tilespmem:s20+$0x80] =	vst v0  }
0x6c: {  	v0 =	vld [tilespmem:s21+$0x410];
	_ =	sdelay $0x4  }
0x6d: {  	v0 =	vadd.s32 s4, v0  }
0x6e: {  	[tilespmem:s20+$0x90] =	vst v0  }
0x6f: {  	v0 =	vld [tilespmem:s21+$0x420];
	_ =	sdelay $0x4  }
0x70: {  	v0 =	vadd.s32 s4, v0  }
0x71: {  	[tilespmem:s20+$0xA0] =	vst v0  }
0x72: {  	v0 =	vld [tilespmem:s21+$0x430];
	_ =	sdelay $0x4  }
0x73: {  	v0 =	vadd.s32 s4, v0  }
0x74: {  	[tilespmem:s20+$0xB0] =	vst v0  }
0x75: {  	v0 =	vld [tilespmem:s21+$0x440];
	_ =	sdelay $0x4  }
0x76: {  	v0 =	vadd.s32 s4, v0  }
0x77: {  	[tilespmem:s20+$0xC0] =	vst v0  }
0x78: {  	v0 =	vld [tilespmem:s21+$0x450];
	_ =	sdelay $0x4  }
0x79: {  	v0 =	vadd.s32 s4, v0  }
0x7a: {  	[tilespmem:s20+$0xD0] =	vst v0  }
0x7b: {  	v0 =	vld [tilespmem:s21+$0x460];
	_ =	sdelay $0x4  }
0x7c: {  	v0 =	vadd.s32 s4, v0  }
0x7d: {  	[tilespmem:s20+$0xE0] =	vst v0  }
0x7e: {  	v0 =	vld [tilespmem:s21+$0x470];
	_ =	sdelay $0x4  }
0x7f: {  	v0 =	vadd.s32 s4, v0  }
0x80: {  	s21 =	simm.s32 $0x880;
	[tilespmem:s20+$0xF0] =	vst v0  }
0x81: {  	s22 =	simm.s32 $0x963E;
	s23 =	simm.s32 $0x12C7C;
	v0 =	vld [tilespmem:s21+$0xFFFFF800]  }
.LBB2_2:
0x82: {  	p1 =	sne.s32 s23, $0x1C2BA;
	_ =	sdelay $0x3  }
0x83: {  	s20 =	sadd.s32 $0x200, s20;
	v0 =	vadd.s32 s22, v0  }
0x84: {  	[tilespmem:s20+$0xFFFFFF00] =	vst v0  }
0x85: {  	v0 =	vld [tilespmem:s21+$0xFFFFF810];
	_ =	sdelay $0x4  }
0x86: {  	v0 =	vadd.s32 s22, v0  }
0x87: {  	[tilespmem:s20+$0xFFFFFF10] =	vst v0  }
0x88: {  	v0 =	vld [tilespmem:s21+$0xFFFFF820];
	_ =	sdelay $0x4  }
0x89: {  	v0 =	vadd.s32 s22, v0  }
0x8a: {  	[tilespmem:s20+$0xFFFFFF20] =	vst v0  }
0x8b: {  	v0 =	vld [tilespmem:s21+$0xFFFFF830];
	_ =	sdelay $0x4  }
0x8c: {  	v0 =	vadd.s32 s22, v0  }
0x8d: {  	[tilespmem:s20+$0xFFFFFF30] =	vst v0  }
0x8e: {  	v0 =	vld [tilespmem:s21+$0xFFFFF840];
	_ =	sdelay $0x4  }
0x8f: {  	v0 =	vadd.s32 s22, v0  }
0x90: {  	[tilespmem:s20+$0xFFFFFF40] =	vst v0  }
0x91: {  	v0 =	vld [tilespmem:s21+$0xFFFFF850];
	_ =	sdelay $0x4  }
0x92: {  	v0 =	vadd.s32 s22, v0  }
0x93: {  	[tilespmem:s20+$0xFFFFFF50] =	vst v0  }
0x94: {  	v0 =	vld [tilespmem:s21+$0xFFFFF860];
	_ =	sdelay $0x4  }
0x95: {  	v0 =	vadd.s32 s22, v0  }
0x96: {  	[tilespmem:s20+$0xFFFFFF60] =	vst v0  }
0x97: {  	v0 =	vld [tilespmem:s21+$0xFFFFF870];
	_ =	sdelay $0x4  }
0x98: {  	v0 =	vadd.s32 s22, v0  }
0x99: {  	[tilespmem:s20+$0xFFFFFF70] =	vst v0  }
0x9a: {  	v0 =	vld [tilespmem:s21+$0xFFFFFC00];
	_ =	sdelay $0x4  }
0x9b: {  	v0 =	vadd.s32 s22, v0  }
0x9c: {  	[tilespmem:s20+$0xFFFFFF80] =	vst v0  }
0x9d: {  	v0 =	vld [tilespmem:s21+$0xFFFFFC10];
	_ =	sdelay $0x4  }
0x9e: {  	v0 =	vadd.s32 s22, v0  }
0x9f: {  	[tilespmem:s20+$0xFFFFFF90] =	vst v0  }
0xa0: {  	v0 =	vld [tilespmem:s21+$0xFFFFFC20];
	_ =	sdelay $0x4  }
0xa1: {  	v0 =	vadd.s32 s22, v0  }
0xa2: {  	[tilespmem:s20+$0xFFFFFFA0] =	vst v0  }
0xa3: {  	v0 =	vld [tilespmem:s21+$0xFFFFFC30];
	_ =	sdelay $0x4  }
0xa4: {  	v0 =	vadd.s32 s22, v0  }
0xa5: {  	[tilespmem:s20+$0xFFFFFFB0] =	vst v0  }
0xa6: {  	v0 =	vld [tilespmem:s21+$0xFFFFFC40];
	_ =	sdelay $0x4  }
0xa7: {  	v0 =	vadd.s32 s22, v0  }
0xa8: {  	[tilespmem:s20+$0xFFFFFFC0] =	vst v0  }
0xa9: {  	v0 =	vld [tilespmem:s21+$0xFFFFFC50];
	_ =	sdelay $0x4  }
0xaa: {  	v0 =	vadd.s32 s22, v0  }
0xab: {  	[tilespmem:s20+$0xFFFFFFD0] =	vst v0  }
0xac: {  	v0 =	vld [tilespmem:s21+$0xFFFFFC60];
	_ =	sdelay $0x4  }
0xad: {  	v0 =	vadd.s32 s22, v0  }
0xae: {  	[tilespmem:s20+$0xFFFFFFE0] =	vst v0  }
0xaf: {  	v0 =	vld [tilespmem:s21+$0xFFFFFC70];
	_ =	sdelay $0x4  }
0xb0: {  	v0 =	vadd.s32 s22, v0  }
0xb1: {  	[tilespmem:s20+$0xFFFFFFF0] =	vst v0  }
0xb2: {  	v0 =	vld [tilespmem:s21+$0x0];
	_ =	sdelay $0x4  }
0xb3: {  	v0 =	vadd.s32 s22, v0  }
0xb4: {  	[tilespmem:s20+$0x0] =	vst v0  }
0xb5: {  	v0 =	vld [tilespmem:s21+$0x10];
	_ =	sdelay $0x4  }
0xb6: {  	v0 =	vadd.s32 s22, v0  }
0xb7: {  	[tilespmem:s20+$0x10] =	vst v0  }
0xb8: {  	v0 =	vld [tilespmem:s21+$0x20];
	_ =	sdelay $0x4  }
0xb9: {  	v0 =	vadd.s32 s22, v0  }
0xba: {  	[tilespmem:s20+$0x20] =	vst v0  }
0xbb: {  	v0 =	vld [tilespmem:s21+$0x30];
	_ =	sdelay $0x4  }
0xbc: {  	v0 =	vadd.s32 s22, v0  }
0xbd: {  	[tilespmem:s20+$0x30] =	vst v0  }
0xbe: {  	v0 =	vld [tilespmem:s21+$0x40];
	_ =	sdelay $0x4  }
0xbf: {  	v0 =	vadd.s32 s22, v0  }
0xc0: {  	[tilespmem:s20+$0x40] =	vst v0  }
0xc1: {  	v0 =	vld [tilespmem:s21+$0x50];
	_ =	sdelay $0x4  }
0xc2: {  	v0 =	vadd.s32 s22, v0  }
0xc3: {  	[tilespmem:s20+$0x50] =	vst v0  }
0xc4: {  	v0 =	vld [tilespmem:s21+$0x60];
	_ =	sdelay $0x4  }
0xc5: {  	v0 =	vadd.s32 s22, v0  }
0xc6: {  	[tilespmem:s20+$0x60] =	vst v0  }
0xc7: {  	v0 =	vld [tilespmem:s21+$0x70];
	_ =	sdelay $0x4  }
0xc8: {  	v0 =	vadd.s32 s22, v0  }
0xc9: {  	[tilespmem:s20+$0x70] =	vst v0  }
0xca: {  	v0 =	vld [tilespmem:s21+$0x400];
	_ =	sdelay $0x4  }
0xcb: {  	v0 =	vadd.s32 s22, v0  }
0xcc: {  	[tilespmem:s20+$0x80] =	vst v0  }
0xcd: {  	v0 =	vld [tilespmem:s21+$0x410];
	_ =	sdelay $0x4  }
0xce: {  	v0 =	vadd.s32 s22, v0  }
0xcf: {  	[tilespmem:s20+$0x90] =	vst v0  }
0xd0: {  	v0 =	vld [tilespmem:s21+$0x420];
	_ =	sdelay $0x4  }
0xd1: {  	v0 =	vadd.s32 s22, v0  }
0xd2: {  	[tilespmem:s20+$0xA0] =	vst v0  }
0xd3: {  	v0 =	vld [tilespmem:s21+$0x430];
	_ =	sdelay $0x4  }
0xd4: {  	v0 =	vadd.s32 s22, v0  }
0xd5: {  	[tilespmem:s20+$0xB0] =	vst v0  }
0xd6: {  	v0 =	vld [tilespmem:s21+$0x440];
	_ =	sdelay $0x4  }
0xd7: {  	v0 =	vadd.s32 s22, v0  }
0xd8: {  	[tilespmem:s20+$0xC0] =	vst v0  }
0xd9: {  	v0 =	vld [tilespmem:s21+$0x450];
	_ =	sdelay $0x4  }
0xda: {  	v0 =	vadd.s32 s22, v0  }
0xdb: {  	[tilespmem:s20+$0xD0] =	vst v0  }
0xdc: {  	v0 =	vld [tilespmem:s21+$0x460];
	_ =	sdelay $0x4  }
0xdd: {  	v0 =	vadd.s32 s22, v0  }
0xde: {  	[tilespmem:s20+$0xE0] =	vst v0  }
0xdf: {  	v0 =	vld [tilespmem:s21+$0x470];
	_ =	sdelay $0x2  }
.Ltmp0:
0xe0: {  	(pc) =	sbr.rel @p1 .LBB2_2-.Ltmp0, $4  }
0xe1: {  	_ = 	snop  }
0xe2: {  	v0 =	vadd.s32 s22, v0;
	s22 =	smov.u32 s23  }
0xe3: {  	s21 =	sadd.s32 $0x80, s21;
	[tilespmem:s20+$0xF0] =	vst v0  }
0xe4: {  	s23 =	sadd.s32 $0x963E, s23;
	v0 =	vld [tilespmem:s21+$0xFFFFF800]  }
0xe5: {  	_ =	sdelay $0x3  }
0xe6: {  	s20 =	sadd.s32 $0x200, s20;
	v0 =	vadd.s32 s22, v0  }
0xe7: {  	[tilespmem:s20+$0xFFFFFF00] =	vst v0  }
0xe8: {  	v0 =	vld [tilespmem:s21+$0xFFFFF810];
	_ =	sdelay $0x4  }
0xe9: {  	v0 =	vadd.s32 s22, v0  }
0xea: {  	[tilespmem:s20+$0xFFFFFF10] =	vst v0  }
0xeb: {  	v0 =	vld [tilespmem:s21+$0xFFFFF820];
	_ =	sdelay $0x4  }
0xec: {  	v0 =	vadd.s32 s22, v0  }
0xed: {  	[tilespmem:s20+$0xFFFFFF20] =	vst v0  }
0xee: {  	v0 =	vld [tilespmem:s21+$0xFFFFF830];
	_ =	sdelay $0x4  }
0xef: {  	v0 =	vadd.s32 s22, v0  }
0xf0: {  	[tilespmem:s20+$0xFFFFFF30] =	vst v0  }
0xf1: {  	v0 =	vld [tilespmem:s21+$0xFFFFF840];
	_ =	sdelay $0x4  }
0xf2: {  	v0 =	vadd.s32 s22, v0  }
0xf3: {  	[tilespmem:s20+$0xFFFFFF40] =	vst v0  }
0xf4: {  	v0 =	vld [tilespmem:s21+$0xFFFFF850];
	_ =	sdelay $0x4  }
0xf5: {  	v0 =	vadd.s32 s22, v0  }
0xf6: {  	[tilespmem:s20+$0xFFFFFF50] =	vst v0  }
0xf7: {  	v0 =	vld [tilespmem:s21+$0xFFFFF860];
	_ =	sdelay $0x4  }
0xf8: {  	v0 =	vadd.s32 s22, v0  }
0xf9: {  	[tilespmem:s20+$0xFFFFFF60] =	vst v0  }
0xfa: {  	v0 =	vld [tilespmem:s21+$0xFFFFF870];
	_ =	sdelay $0x4  }
0xfb: {  	v0 =	vadd.s32 s22, v0  }
0xfc: {  	[tilespmem:s20+$0xFFFFFF70] =	vst v0  }
0xfd: {  	v0 =	vld [tilespmem:s21+$0xFFFFFC00];
	_ =	sdelay $0x4  }
0xfe: {  	v0 =	vadd.s32 s22, v0  }
0xff: {  	[tilespmem:s20+$0xFFFFFF80] =	vst v0  }
0x100: {  	v0 =	vld [tilespmem:s21+$0xFFFFFC10];
	_ =	sdelay $0x4  }
0x101: {  	v0 =	vadd.s32 s22, v0  }
0x102: {  	[tilespmem:s20+$0xFFFFFF90] =	vst v0  }
0x103: {  	v0 =	vld [tilespmem:s21+$0xFFFFFC20];
	_ =	sdelay $0x4  }
0x104: {  	v0 =	vadd.s32 s22, v0  }
0x105: {  	[tilespmem:s20+$0xFFFFFFA0] =	vst v0  }
0x106: {  	v0 =	vld [tilespmem:s21+$0xFFFFFC30];
	_ =	sdelay $0x4  }
0x107: {  	v0 =	vadd.s32 s22, v0  }
0x108: {  	[tilespmem:s20+$0xFFFFFFB0] =	vst v0  }
0x109: {  	v0 =	vld [tilespmem:s21+$0xFFFFFC40];
	_ =	sdelay $0x4  }
0x10a: {  	v0 =	vadd.s32 s22, v0  }
0x10b: {  	[tilespmem:s20+$0xFFFFFFC0] =	vst v0  }
0x10c: {  	v0 =	vld [tilespmem:s21+$0xFFFFFC50];
	_ =	sdelay $0x4  }
0x10d: {  	v0 =	vadd.s32 s22, v0  }
0x10e: {  	[tilespmem:s20+$0xFFFFFFD0] =	vst v0  }
0x10f: {  	v0 =	vld [tilespmem:s21+$0xFFFFFC60];
	_ =	sdelay $0x4  }
0x110: {  	v0 =	vadd.s32 s22, v0  }
0x111: {  	[tilespmem:s20+$0xFFFFFFE0] =	vst v0  }
0x112: {  	v0 =	vld [tilespmem:s21+$0xFFFFFC70];
	_ =	sdelay $0x4  }
0x113: {  	v0 =	vadd.s32 s22, v0  }
0x114: {  	[tilespmem:s20+$0xFFFFFFF0] =	vst v0  }
0x115: {  	v0 =	vld [tilespmem:s21+$0x0];
	_ =	sdelay $0x4  }
0x116: {  	v0 =	vadd.s32 s22, v0  }
0x117: {  	[tilespmem:s20+$0x0] =	vst v0  }
0x118: {  	v0 =	vld [tilespmem:s21+$0x10];
	_ =	sdelay $0x4  }
0x119: {  	v0 =	vadd.s32 s22, v0  }
0x11a: {  	[tilespmem:s20+$0x10] =	vst v0  }
0x11b: {  	v0 =	vld [tilespmem:s21+$0x20];
	_ =	sdelay $0x4  }
0x11c: {  	v0 =	vadd.s32 s22, v0  }
0x11d: {  	[tilespmem:s20+$0x20] =	vst v0  }
0x11e: {  	v0 =	vld [tilespmem:s21+$0x30];
	_ =	sdelay $0x4  }
0x11f: {  	v0 =	vadd.s32 s22, v0  }
0x120: {  	[tilespmem:s20+$0x30] =	vst v0  }
0x121: {  	v0 =	vld [tilespmem:s21+$0x40];
	_ =	sdelay $0x4  }
0x122: {  	v0 =	vadd.s32 s22, v0  }
0x123: {  	[tilespmem:s20+$0x40] =	vst v0  }
0x124: {  	v0 =	vld [tilespmem:s21+$0x50];
	_ =	sdelay $0x4  }
0x125: {  	v0 =	vadd.s32 s22, v0  }
0x126: {  	[tilespmem:s20+$0x50] =	vst v0  }
0x127: {  	v0 =	vld [tilespmem:s21+$0x60];
	_ =	sdelay $0x4  }
0x128: {  	v0 =	vadd.s32 s22, v0  }
0x129: {  	[tilespmem:s20+$0x60] =	vst v0  }
0x12a: {  	v0 =	vld [tilespmem:s21+$0x70];
	_ =	sdelay $0x4  }
0x12b: {  	v0 =	vadd.s32 s22, v0  }
0x12c: {  	[tilespmem:s20+$0x70] =	vst v0  }
0x12d: {  	v0 =	vld [tilespmem:s21+$0x400];
	_ =	sdelay $0x4  }
0x12e: {  	v0 =	vadd.s32 s22, v0  }
0x12f: {  	[tilespmem:s20+$0x80] =	vst v0  }
0x130: {  	v0 =	vld [tilespmem:s21+$0x410];
	_ =	sdelay $0x4  }
0x131: {  	v0 =	vadd.s32 s22, v0  }
0x132: {  	[tilespmem:s20+$0x90] =	vst v0  }
0x133: {  	v0 =	vld [tilespmem:s21+$0x420];
	_ =	sdelay $0x4  }
0x134: {  	v0 =	vadd.s32 s22, v0  }
0x135: {  	[tilespmem:s20+$0xA0] =	vst v0  }
0x136: {  	v0 =	vld [tilespmem:s21+$0x430];
	_ =	sdelay $0x4  }
0x137: {  	v0 =	vadd.s32 s22, v0  }
0x138: {  	[tilespmem:s20+$0xB0] =	vst v0  }
0x139: {  	v0 =	vld [tilespmem:s21+$0x440];
	_ =	sdelay $0x4  }
0x13a: {  	v0 =	vadd.s32 s22, v0  }
0x13b: {  	[tilespmem:s20+$0xC0] =	vst v0  }
0x13c: {  	v0 =	vld [tilespmem:s21+$0x450];
	_ =	sdelay $0x4  }
0x13d: {  	v0 =	vadd.s32 s22, v0  }
0x13e: {  	[tilespmem:s20+$0xD0] =	vst v0  }
0x13f: {  	v0 =	vld [tilespmem:s21+$0x460];
	_ =	sdelay $0x4  }
0x140: {  	v0 =	vadd.s32 s22, v0  }
0x141: {  	[tilespmem:s20+$0xE0] =	vst v0  }
0x142: {  	v0 =	vld [tilespmem:s21+$0x470];
	_ =	sdelay $0x4  }
0x143: {  	v0 =	vadd.s32 s22, v0  }
0x144: {  	s1 =	simm.s32 @p0 $0x2;
	[tilespmem:s20+$0xF0] =	vst v0  }
0x145: {  	_ =	swait.ge @p0 [sflag:s1], $0xF70  }
0x146: {  	[sflag:s1] =	ssyncset.done @p0 $0x0  }
0x147: {  	[sflag:s1] =	ssyncadd.s32 @p0 $0xFFFFF090;
	s1 =	simm.s32 @!p0 $0x2  }
0x148: {  	_ =	swait.ge @!p0 [sflag:s1], $0xF40  }
0x149: {  	[sflag:s1] =	ssyncset.done @!p0 $0x0  }
0x14a: {  	s26 =	simm.s32 $0x4000;
	[sflag:s1] =	ssyncadd.s32 @!p0 $0xFFFFF0C0  }
0x14b: {  	s29 =	simm.s32 $0x7400;
	s1 =	simm.s32 $0x200;
	[bflag:$0x0] =	sbarrier.arrive $0xFFFF  }
0x14c: {  	[tilespmem:s29], [sflag:$0x1] =	stream.indirect.gather [spmem:s2], $0x1, s26, s1, $0xb8;
	[tilespmem:$0x19EA8] =	vst v63  }
0x14d: {  	s21 =	simm.s32 $0x4200;
	s22 =	simm.s32 $0x7600  }
0x14e: {  	[tilespmem:s22], [sflag:$0x1] =	stream.indirect.gather [spmem:s2], $0x1, s21, s1, $0xb8;
	[tilespmem:$0x19EA8] =	vst v63  }
0x14f: {  	s23 =	simm.s32 $0x4400;
	s24 =	simm.s32 $0x7800  }
0x150: {  	[tilespmem:s24], [sflag:$0x1] =	stream.indirect.gather [spmem:s2], $0x1, s23, s1, $0xb8;
	[tilespmem:$0x19EA8] =	vst v63  }
0x151: {  	s25 =	simm.s32 $0x4600;
	s26 =	simm.s32 $0x7A00;
	s29 =	simm.s32 $0x800  }
0x152: {  	[tilespmem:s26], [sflag:$0x1] =	stream.indirect.gather [spmem:s2], $0x1, s25, s1, $0xb8;
	[tilespmem:$0x19EA8] =	vst v63  }
0x153: {  	s20 =	sand.u32 $0x1000, s29;
	s1 =	sand.u32 $0x380, s1  }
0x154: {  	s20 =	sor.u32 s1, s20  }
0x155: {  	v0 =	vld [tilespmem:s20+$0x0];
	_ =	sdelay $0x3  }
0x156: {  	s24 =	simm.s32 $0x258F8  }
0x157: {  	s22 =	simm.s32 $0x4800;
	v0 =	vadd.s32 s24, v0  }
0x158: {  	[tilespmem:s22+$0x0] =	vst v0  }
0x159: {  	v0 =	vld [tilespmem:s20+$0x10];
	_ =	sdelay $0x4  }
0x15a: {  	v0 =	vadd.s32 s24, v0  }
0x15b: {  	[tilespmem:s22+$0x10] =	vst v0  }
0x15c: {  	v0 =	vld [tilespmem:s20+$0x20];
	_ =	sdelay $0x4  }
0x15d: {  	v0 =	vadd.s32 s24, v0  }
0x15e: {  	[tilespmem:s22+$0x20] =	vst v0  }
0x15f: {  	v0 =	vld [tilespmem:s20+$0x30];
	_ =	sdelay $0x4  }
0x160: {  	v0 =	vadd.s32 s24, v0  }
0x161: {  	[tilespmem:s22+$0x30] =	vst v0  }
0x162: {  	v0 =	vld [tilespmem:s20+$0x40];
	_ =	sdelay $0x4  }
0x163: {  	v0 =	vadd.s32 s24, v0  }
0x164: {  	[tilespmem:s22+$0x40] =	vst v0  }
0x165: {  	v0 =	vld [tilespmem:s20+$0x50];
	_ =	sdelay $0x4  }
0x166: {  	v0 =	vadd.s32 s24, v0  }
0x167: {  	[tilespmem:s22+$0x50] =	vst v0  }
0x168: {  	v0 =	vld [tilespmem:s20+$0x60];
	_ =	sdelay $0x4  }
0x169: {  	v0 =	vadd.s32 s24, v0  }
0x16a: {  	[tilespmem:s22+$0x60] =	vst v0  }
0x16b: {  	v0 =	vld [tilespmem:s20+$0x70];
	_ =	sdelay $0x4  }
0x16c: {  	v0 =	vadd.s32 s24, v0  }
0x16d: {  	[tilespmem:s22+$0x70] =	vst v0  }
0x16e: {  	v0 =	vld [tilespmem:s20+$0x400];
	_ =	sdelay $0x4  }
0x16f: {  	v0 =	vadd.s32 s24, v0  }
0x170: {  	[tilespmem:s22+$0x80] =	vst v0  }
0x171: {  	v0 =	vld [tilespmem:s20+$0x410];
	_ =	sdelay $0x4  }
0x172: {  	v0 =	vadd.s32 s24, v0  }
0x173: {  	[tilespmem:s22+$0x90] =	vst v0  }
0x174: {  	v0 =	vld [tilespmem:s20+$0x420];
	_ =	sdelay $0x4  }
0x175: {  	v0 =	vadd.s32 s24, v0  }
0x176: {  	[tilespmem:s22+$0xA0] =	vst v0  }
0x177: {  	v0 =	vld [tilespmem:s20+$0x430];
	_ =	sdelay $0x4  }
0x178: {  	v0 =	vadd.s32 s24, v0  }
0x179: {  	[tilespmem:s22+$0xB0] =	vst v0  }
0x17a: {  	v0 =	vld [tilespmem:s20+$0x440];
	_ =	sdelay $0x4  }
0x17b: {  	v0 =	vadd.s32 s24, v0  }
0x17c: {  	[tilespmem:s22+$0xC0] =	vst v0  }
0x17d: {  	v0 =	vld [tilespmem:s20+$0x450];
	_ =	sdelay $0x4  }
0x17e: {  	v0 =	vadd.s32 s24, v0  }
0x17f: {  	[tilespmem:s22+$0xD0] =	vst v0  }
0x180: {  	v0 =	vld [tilespmem:s20+$0x460];
	_ =	sdelay $0x4  }
0x181: {  	v0 =	vadd.s32 s24, v0  }
0x182: {  	[tilespmem:s22+$0xE0] =	vst v0  }
0x183: {  	v0 =	vld [tilespmem:s20+$0x470];
	_ =	sdelay $0x4  }
0x184: {  	v0 =	vadd.s32 s24, v0  }
0x185: {  	[tilespmem:s22+$0xF0] =	vst v0  }
0x186: {  	v0 =	vld [tilespmem:s20+$0x800];
	_ =	sdelay $0x4  }
0x187: {  	v0 =	vadd.s32 s24, v0  }
0x188: {  	[tilespmem:s22+$0x100] =	vst v0  }
0x189: {  	v0 =	vld [tilespmem:s20+$0x810];
	_ =	sdelay $0x4  }
0x18a: {  	v0 =	vadd.s32 s24, v0  }
0x18b: {  	[tilespmem:s22+$0x110] =	vst v0  }
0x18c: {  	v0 =	vld [tilespmem:s20+$0x820];
	_ =	sdelay $0x4  }
0x18d: {  	v0 =	vadd.s32 s24, v0  }
0x18e: {  	[tilespmem:s22+$0x120] =	vst v0  }
0x18f: {  	v0 =	vld [tilespmem:s20+$0x830];
	_ =	sdelay $0x4  }
0x190: {  	v0 =	vadd.s32 s24, v0  }
0x191: {  	[tilespmem:s22+$0x130] =	vst v0  }
0x192: {  	v0 =	vld [tilespmem:s20+$0x840];
	_ =	sdelay $0x4  }
0x193: {  	v0 =	vadd.s32 s24, v0  }
0x194: {  	[tilespmem:s22+$0x140] =	vst v0  }
0x195: {  	v0 =	vld [tilespmem:s20+$0x850];
	_ =	sdelay $0x4  }
0x196: {  	v0 =	vadd.s32 s24, v0  }
0x197: {  	[tilespmem:s22+$0x150] =	vst v0  }
0x198: {  	v0 =	vld [tilespmem:s20+$0x860];
	_ =	sdelay $0x4  }
0x199: {  	v0 =	vadd.s32 s24, v0  }
0x19a: {  	[tilespmem:s22+$0x160] =	vst v0  }
0x19b: {  	v0 =	vld [tilespmem:s20+$0x870];
	_ =	sdelay $0x4  }
0x19c: {  	v0 =	vadd.s32 s24, v0  }
0x19d: {  	[tilespmem:s22+$0x170] =	vst v0  }
0x19e: {  	v0 =	vld [tilespmem:s20+$0xC00];
	_ =	sdelay $0x4  }
0x19f: {  	v0 =	vadd.s32 s24, v0  }
0x1a0: {  	[tilespmem:s22+$0x180] =	vst v0  }
0x1a1: {  	v0 =	vld [tilespmem:s20+$0xC10];
	_ =	sdelay $0x4  }
0x1a2: {  	v0 =	vadd.s32 s24, v0  }
0x1a3: {  	[tilespmem:s22+$0x190] =	vst v0  }
0x1a4: {  	v0 =	vld [tilespmem:s20+$0xC20];
	_ =	sdelay $0x4  }
0x1a5: {  	v0 =	vadd.s32 s24, v0  }
0x1a6: {  	[tilespmem:s22+$0x1A0] =	vst v0  }
0x1a7: {  	v0 =	vld [tilespmem:s20+$0xC30];
	_ =	sdelay $0x4  }
0x1a8: {  	v0 =	vadd.s32 s24, v0  }
0x1a9: {  	[tilespmem:s22+$0x1B0] =	vst v0  }
0x1aa: {  	v0 =	vld [tilespmem:s20+$0xC40];
	_ =	sdelay $0x4  }
0x1ab: {  	v0 =	vadd.s32 s24, v0  }
0x1ac: {  	[tilespmem:s22+$0x1C0] =	vst v0  }
0x1ad: {  	v0 =	vld [tilespmem:s20+$0xC50];
	_ =	sdelay $0x4  }
0x1ae: {  	v0 =	vadd.s32 s24, v0  }
0x1af: {  	[tilespmem:s22+$0x1D0] =	vst v0  }
0x1b0: {  	v0 =	vld [tilespmem:s20+$0xC60];
	_ =	sdelay $0x4  }
0x1b1: {  	v0 =	vadd.s32 s24, v0  }
0x1b2: {  	[tilespmem:s22+$0x1E0] =	vst v0  }
0x1b3: {  	v0 =	vld [tilespmem:s20+$0xC70];
	_ =	sdelay $0x2  }
0x1b4: {  	s28 =	simm.s32 $0x7C00;
	s21 =	simm.s32 $0x2EF36;
	s23 =	simm.s32 $0xA00  }
0x1b5: {  	s30 =	sand.u32 $0x1000, s23;
	s25 =	simm.s32 $0x38574;
	s26 =	simm.s32 $0x280  }
0x1b6: {  	s1 =	sand.u32 $0x380, s26;
	s20 =	simm.s32 $0x7C00;
	v0 =	vadd.s32 s24, v0;
	s24 =	simm.s32 $0x4800  }
.LBB2_4:
0x1b7: {  	s30 =	sor.u32 s1, s30  }
0x1b8: {  	[tilespmem:s22+$0x1F0] =	vst v0;
	s20 =	sadd.s32 $0x200, s20;
	s24 =	sadd.s32 $0x200, s24;
	s29 =	smov.u32 s25  }
0x1b9: {  	[tilespmem:s28], [sflag:$0x1] =	stream.indirect.gather [spmem:s2], $0x1, s22, s31, $0xb8;
	[tilespmem:$0x19EA8] =	vst v63  }
0x1ba: {  	p1 =	sne.s32 s25, $0x70AE8;
	s25 =	sadd.s32 $0x963E, s25;
	s28 =	smov.u32 s20;
	v0 =	vld [tilespmem:s30+$0x0]  }
0x1bb: {  	s22 =	smov.u32 s24;
	_ =	sdelay $0x3  }
0x1bc: {  	v0 =	vadd.s32 s21, v0  }
0x1bd: {  	[tilespmem:s24+$0x0] =	vst v0  }
0x1be: {  	v0 =	vld [tilespmem:s30+$0x10];
	_ =	sdelay $0x4  }
0x1bf: {  	v0 =	vadd.s32 s21, v0  }
0x1c0: {  	[tilespmem:s24+$0x10] =	vst v0  }
0x1c1: {  	v0 =	vld [tilespmem:s30+$0x20];
	_ =	sdelay $0x4  }
0x1c2: {  	v0 =	vadd.s32 s21, v0  }
0x1c3: {  	[tilespmem:s24+$0x20] =	vst v0  }
0x1c4: {  	v0 =	vld [tilespmem:s30+$0x30];
	_ =	sdelay $0x4  }
0x1c5: {  	v0 =	vadd.s32 s21, v0  }
0x1c6: {  	[tilespmem:s24+$0x30] =	vst v0  }
0x1c7: {  	v0 =	vld [tilespmem:s30+$0x40];
	_ =	sdelay $0x4  }
0x1c8: {  	v0 =	vadd.s32 s21, v0  }
0x1c9: {  	[tilespmem:s24+$0x40] =	vst v0  }
0x1ca: {  	v0 =	vld [tilespmem:s30+$0x50];
	_ =	sdelay $0x4  }
0x1cb: {  	v0 =	vadd.s32 s21, v0  }
0x1cc: {  	[tilespmem:s24+$0x50] =	vst v0  }
0x1cd: {  	v0 =	vld [tilespmem:s30+$0x60];
	_ =	sdelay $0x4  }
0x1ce: {  	v0 =	vadd.s32 s21, v0  }
0x1cf: {  	[tilespmem:s24+$0x60] =	vst v0  }
0x1d0: {  	v0 =	vld [tilespmem:s30+$0x70];
	_ =	sdelay $0x4  }
0x1d1: {  	v0 =	vadd.s32 s21, v0  }
0x1d2: {  	[tilespmem:s24+$0x70] =	vst v0  }
0x1d3: {  	v0 =	vld [tilespmem:s30+$0x400];
	_ =	sdelay $0x4  }
0x1d4: {  	v0 =	vadd.s32 s21, v0  }
0x1d5: {  	[tilespmem:s24+$0x80] =	vst v0  }
0x1d6: {  	v0 =	vld [tilespmem:s30+$0x410];
	_ =	sdelay $0x4  }
0x1d7: {  	v0 =	vadd.s32 s21, v0  }
0x1d8: {  	[tilespmem:s24+$0x90] =	vst v0  }
0x1d9: {  	v0 =	vld [tilespmem:s30+$0x420];
	_ =	sdelay $0x4  }
0x1da: {  	v0 =	vadd.s32 s21, v0  }
0x1db: {  	[tilespmem:s24+$0xA0] =	vst v0  }
0x1dc: {  	v0 =	vld [tilespmem:s30+$0x430];
	_ =	sdelay $0x4  }
0x1dd: {  	v0 =	vadd.s32 s21, v0  }
0x1de: {  	[tilespmem:s24+$0xB0] =	vst v0  }
0x1df: {  	v0 =	vld [tilespmem:s30+$0x440];
	_ =	sdelay $0x4  }
0x1e0: {  	v0 =	vadd.s32 s21, v0  }
0x1e1: {  	[tilespmem:s24+$0xC0] =	vst v0  }
0x1e2: {  	v0 =	vld [tilespmem:s30+$0x450];
	_ =	sdelay $0x4  }
0x1e3: {  	v0 =	vadd.s32 s21, v0  }
0x1e4: {  	[tilespmem:s24+$0xD0] =	vst v0  }
0x1e5: {  	v0 =	vld [tilespmem:s30+$0x460];
	_ =	sdelay $0x4  }
0x1e6: {  	v0 =	vadd.s32 s21, v0  }
0x1e7: {  	[tilespmem:s24+$0xE0] =	vst v0  }
0x1e8: {  	v0 =	vld [tilespmem:s30+$0x470];
	_ =	sdelay $0x4  }
0x1e9: {  	v0 =	vadd.s32 s21, v0  }
0x1ea: {  	[tilespmem:s24+$0xF0] =	vst v0  }
0x1eb: {  	v0 =	vld [tilespmem:s30+$0x800];
	_ =	sdelay $0x4  }
0x1ec: {  	v0 =	vadd.s32 s21, v0  }
0x1ed: {  	[tilespmem:s24+$0x100] =	vst v0  }
0x1ee: {  	v0 =	vld [tilespmem:s30+$0x810];
	_ =	sdelay $0x4  }
0x1ef: {  	v0 =	vadd.s32 s21, v0  }
0x1f0: {  	[tilespmem:s24+$0x110] =	vst v0  }
0x1f1: {  	v0 =	vld [tilespmem:s30+$0x820];
	_ =	sdelay $0x4  }
0x1f2: {  	v0 =	vadd.s32 s21, v0  }
0x1f3: {  	[tilespmem:s24+$0x120] =	vst v0  }
0x1f4: {  	v0 =	vld [tilespmem:s30+$0x830];
	_ =	sdelay $0x4  }
0x1f5: {  	v0 =	vadd.s32 s21, v0  }
0x1f6: {  	[tilespmem:s24+$0x130] =	vst v0  }
0x1f7: {  	v0 =	vld [tilespmem:s30+$0x840];
	_ =	sdelay $0x4  }
0x1f8: {  	v0 =	vadd.s32 s21, v0  }
0x1f9: {  	[tilespmem:s24+$0x140] =	vst v0  }
0x1fa: {  	v0 =	vld [tilespmem:s30+$0x850];
	_ =	sdelay $0x4  }
0x1fb: {  	v0 =	vadd.s32 s21, v0  }
0x1fc: {  	[tilespmem:s24+$0x150] =	vst v0  }
0x1fd: {  	v0 =	vld [tilespmem:s30+$0x860];
	_ =	sdelay $0x4  }
0x1fe: {  	v0 =	vadd.s32 s21, v0  }
0x1ff: {  	[tilespmem:s24+$0x160] =	vst v0  }
0x200: {  	v0 =	vld [tilespmem:s30+$0x870];
	_ =	sdelay $0x4  }
0x201: {  	v0 =	vadd.s32 s21, v0  }
0x202: {  	[tilespmem:s24+$0x170] =	vst v0  }
0x203: {  	v0 =	vld [tilespmem:s30+$0xC00];
	_ =	sdelay $0x4  }
0x204: {  	v0 =	vadd.s32 s21, v0  }
0x205: {  	[tilespmem:s24+$0x180] =	vst v0  }
0x206: {  	v0 =	vld [tilespmem:s30+$0xC10];
	_ =	sdelay $0x4  }
0x207: {  	v0 =	vadd.s32 s21, v0  }
0x208: {  	[tilespmem:s24+$0x190] =	vst v0  }
0x209: {  	v0 =	vld [tilespmem:s30+$0xC20];
	_ =	sdelay $0x4  }
0x20a: {  	v0 =	vadd.s32 s21, v0  }
0x20b: {  	[tilespmem:s24+$0x1A0] =	vst v0  }
0x20c: {  	v0 =	vld [tilespmem:s30+$0xC30];
	_ =	sdelay $0x4  }
0x20d: {  	v0 =	vadd.s32 s21, v0  }
0x20e: {  	[tilespmem:s24+$0x1B0] =	vst v0  }
0x20f: {  	v0 =	vld [tilespmem:s30+$0xC40];
	_ =	sdelay $0x4  }
0x210: {  	v0 =	vadd.s32 s21, v0  }
0x211: {  	[tilespmem:s24+$0x1C0] =	vst v0  }
0x212: {  	v0 =	vld [tilespmem:s30+$0xC50];
	_ =	sdelay $0x4  }
0x213: {  	v0 =	vadd.s32 s21, v0  }
0x214: {  	[tilespmem:s24+$0x1D0] =	vst v0  }
0x215: {  	v0 =	vld [tilespmem:s30+$0xC60];
	_ =	sdelay $0x4  }
0x216: {  	v0 =	vadd.s32 s21, v0  }
0x217: {  	[tilespmem:s24+$0x1E0] =	vst v0  }
0x218: {  	v0 =	vld [tilespmem:s30+$0xC70]  }
.Ltmp1:
0x219: {  	(pc) =	sbr.rel @p1 .LBB2_4-.Ltmp1, $3  }
0x21a: {  	_ =	sdelay $0x1  }
0x21b: {  	s26 =	sadd.s32 $0x80, s26;
	s23 =	sadd.s32 $0x200, s23  }
0x21c: {  	s1 =	sand.u32 $0x380, s26;
	s30 =	sand.u32 $0x1000, s23;
	v0 =	vadd.s32 s21, v0;
	s21 =	smov.u32 s29  }
0x21d: {  	s23 =	sor.u32 s1, s30;
	[tilespmem:s22+$0x1F0] =	vst v0  }
0x21e: {  	[tilespmem:s28], [sflag:$0x1] =	stream.indirect.gather [spmem:s2], $0x1, s22, s31, $0xb8;
	[tilespmem:$0x19EA8] =	vst v63  }
0x21f: {  	v0 =	vld [tilespmem:s23+$0x0];
	_ =	sdelay $0x4  }
0x220: {  	s1 =	sadd.s32 $0x200, s24;
	v0 =	vadd.s32 s21, v0  }
0x221: {  	[tilespmem:s1+$0x0] =	vst v0  }
0x222: {  	v0 =	vld [tilespmem:s23+$0x10];
	_ =	sdelay $0x4  }
0x223: {  	v0 =	vadd.s32 s21, v0  }
0x224: {  	[tilespmem:s1+$0x10] =	vst v0  }
0x225: {  	v0 =	vld [tilespmem:s23+$0x20];
	_ =	sdelay $0x4  }
0x226: {  	v0 =	vadd.s32 s21, v0  }
0x227: {  	[tilespmem:s1+$0x20] =	vst v0  }
0x228: {  	v0 =	vld [tilespmem:s23+$0x30];
	_ =	sdelay $0x4  }
0x229: {  	v0 =	vadd.s32 s21, v0  }
0x22a: {  	[tilespmem:s1+$0x30] =	vst v0  }
0x22b: {  	v0 =	vld [tilespmem:s23+$0x40];
	_ =	sdelay $0x4  }
0x22c: {  	v0 =	vadd.s32 s21, v0  }
0x22d: {  	[tilespmem:s1+$0x40] =	vst v0  }
0x22e: {  	v0 =	vld [tilespmem:s23+$0x50];
	_ =	sdelay $0x4  }
0x22f: {  	v0 =	vadd.s32 s21, v0  }
0x230: {  	[tilespmem:s1+$0x50] =	vst v0  }
0x231: {  	v0 =	vld [tilespmem:s23+$0x60];
	_ =	sdelay $0x4  }
0x232: {  	v0 =	vadd.s32 s21, v0  }
0x233: {  	[tilespmem:s1+$0x60] =	vst v0  }
0x234: {  	v0 =	vld [tilespmem:s23+$0x70];
	_ =	sdelay $0x4  }
0x235: {  	v0 =	vadd.s32 s21, v0  }
0x236: {  	[tilespmem:s1+$0x70] =	vst v0  }
0x237: {  	v0 =	vld [tilespmem:s23+$0x400];
	_ =	sdelay $0x4  }
0x238: {  	v0 =	vadd.s32 s21, v0  }
0x239: {  	[tilespmem:s1+$0x80] =	vst v0  }
0x23a: {  	v0 =	vld [tilespmem:s23+$0x410];
	_ =	sdelay $0x4  }
0x23b: {  	v0 =	vadd.s32 s21, v0  }
0x23c: {  	[tilespmem:s1+$0x90] =	vst v0  }
0x23d: {  	v0 =	vld [tilespmem:s23+$0x420];
	_ =	sdelay $0x4  }
0x23e: {  	v0 =	vadd.s32 s21, v0  }
0x23f: {  	[tilespmem:s1+$0xA0] =	vst v0  }
0x240: {  	v0 =	vld [tilespmem:s23+$0x430];
	_ =	sdelay $0x4  }
0x241: {  	v0 =	vadd.s32 s21, v0  }
0x242: {  	[tilespmem:s1+$0xB0] =	vst v0  }
0x243: {  	v0 =	vld [tilespmem:s23+$0x440];
	_ =	sdelay $0x4  }
0x244: {  	v0 =	vadd.s32 s21, v0  }
0x245: {  	[tilespmem:s1+$0xC0] =	vst v0  }
0x246: {  	v0 =	vld [tilespmem:s23+$0x450];
	_ =	sdelay $0x4  }
0x247: {  	v0 =	vadd.s32 s21, v0  }
0x248: {  	[tilespmem:s1+$0xD0] =	vst v0  }
0x249: {  	v0 =	vld [tilespmem:s23+$0x460];
	_ =	sdelay $0x4  }
0x24a: {  	v0 =	vadd.s32 s21, v0  }
0x24b: {  	[tilespmem:s1+$0xE0] =	vst v0  }
0x24c: {  	v0 =	vld [tilespmem:s23+$0x470];
	_ =	sdelay $0x4  }
0x24d: {  	v0 =	vadd.s32 s21, v0  }
0x24e: {  	[tilespmem:s1+$0xF0] =	vst v0  }
0x24f: {  	v0 =	vld [tilespmem:s23+$0x800];
	_ =	sdelay $0x4  }
0x250: {  	v0 =	vadd.s32 s21, v0  }
0x251: {  	[tilespmem:s1+$0x100] =	vst v0  }
0x252: {  	v0 =	vld [tilespmem:s23+$0x810];
	_ =	sdelay $0x4  }
0x253: {  	v0 =	vadd.s32 s21, v0  }
0x254: {  	[tilespmem:s1+$0x110] =	vst v0  }
0x255: {  	v0 =	vld [tilespmem:s23+$0x820];
	_ =	sdelay $0x4  }
0x256: {  	v0 =	vadd.s32 s21, v0  }
0x257: {  	[tilespmem:s1+$0x120] =	vst v0  }
0x258: {  	v0 =	vld [tilespmem:s23+$0x830];
	_ =	sdelay $0x4  }
0x259: {  	v0 =	vadd.s32 s21, v0  }
0x25a: {  	[tilespmem:s1+$0x130] =	vst v0  }
0x25b: {  	v0 =	vld [tilespmem:s23+$0x840];
	_ =	sdelay $0x4  }
0x25c: {  	v0 =	vadd.s32 s21, v0  }
0x25d: {  	[tilespmem:s1+$0x140] =	vst v0  }
0x25e: {  	v0 =	vld [tilespmem:s23+$0x850];
	_ =	sdelay $0x4  }
0x25f: {  	v0 =	vadd.s32 s21, v0  }
0x260: {  	[tilespmem:s1+$0x150] =	vst v0  }
0x261: {  	v0 =	vld [tilespmem:s23+$0x860];
	_ =	sdelay $0x4  }
0x262: {  	v0 =	vadd.s32 s21, v0  }
0x263: {  	[tilespmem:s1+$0x160] =	vst v0  }
0x264: {  	v0 =	vld [tilespmem:s23+$0x870];
	_ =	sdelay $0x4  }
0x265: {  	v0 =	vadd.s32 s21, v0  }
0x266: {  	[tilespmem:s1+$0x170] =	vst v0  }
0x267: {  	v0 =	vld [tilespmem:s23+$0xC00];
	_ =	sdelay $0x4  }
0x268: {  	v0 =	vadd.s32 s21, v0  }
0x269: {  	[tilespmem:s1+$0x180] =	vst v0  }
0x26a: {  	v0 =	vld [tilespmem:s23+$0xC10];
	_ =	sdelay $0x4  }
0x26b: {  	v0 =	vadd.s32 s21, v0  }
0x26c: {  	[tilespmem:s1+$0x190] =	vst v0  }
0x26d: {  	v0 =	vld [tilespmem:s23+$0xC20];
	_ =	sdelay $0x4  }
0x26e: {  	v0 =	vadd.s32 s21, v0  }
0x26f: {  	[tilespmem:s1+$0x1A0] =	vst v0  }
0x270: {  	v0 =	vld [tilespmem:s23+$0xC30];
	_ =	sdelay $0x4  }
0x271: {  	v0 =	vadd.s32 s21, v0  }
0x272: {  	[tilespmem:s1+$0x1B0] =	vst v0  }
0x273: {  	v0 =	vld [tilespmem:s23+$0xC40];
	_ =	sdelay $0x4  }
0x274: {  	v0 =	vadd.s32 s21, v0  }
0x275: {  	[tilespmem:s1+$0x1C0] =	vst v0  }
0x276: {  	v0 =	vld [tilespmem:s23+$0xC50];
	_ =	sdelay $0x4  }
0x277: {  	v0 =	vadd.s32 s21, v0  }
0x278: {  	[tilespmem:s1+$0x1D0] =	vst v0  }
0x279: {  	v0 =	vld [tilespmem:s23+$0xC60];
	_ =	sdelay $0x4  }
0x27a: {  	v0 =	vadd.s32 s21, v0  }
0x27b: {  	[tilespmem:s1+$0x1E0] =	vst v0  }
0x27c: {  	v0 =	vld [tilespmem:s23+$0xC70];
	_ =	sdelay $0x4  }
0x27d: {  	v0 =	vadd.s32 s21, v0  }
0x27e: {  	s23 =	sadd.s32 $0x200, s20;
	[tilespmem:s1+$0x1F0] =	vst v0  }
0x27f: {  	[tilespmem:s23], [sflag:$0x1] =	stream.indirect.gather [spmem:s2], $0x1, s1, s31, $0xb8;
	[tilespmem:$0x19EA8] =	vst v63  }
0x280: {  	s1 =	simm.s32 @p0 $0x4  }
0x281: {  	_ =	swait.ge @p0 [sflag:s1], $0xF70  }
0x282: {  	[sflag:s1] =	ssyncset.done @p0 $0x0  }
0x283: {  	[sflag:s1] =	ssyncadd.s32 @p0 $0xFFFFF090;
	s1 =	simm.s32 @!p0 $0x4  }
0x284: {  	_ =	swait.ge @!p0 [sflag:s1], $0xF40  }
0x285: {  	s24 =	simm.s32 $0x680;
	s25 =	simm.s32 $0x1A00;
	[sflag:s1] =	ssyncset.done @!p0 $0x0  }
0x286: {  	s26 =	sand.u32 $0x3000, s25;
	s20 =	sand.u32 $0x380, s24;
	[sflag:s1] =	ssyncadd.s32 @!p0 $0xFFFFF0C0  }
0x287: {  	s30 =	sor.u32 s20, s26;
	[bflag:$0x0] =	sbarrier.arrive $0xFFFF  }
0x288: {  	v0 =	vld [tilespmem:s30+$0x0];
	_ =	sdelay $0x3  }
0x289: {  	s20 =	simm.s32 $0x7A126  }
0x28a: {  	s21 =	simm.s32 $0x0;
	v0 =	vadd.s32 s20, v0  }
0x28b: {  	[tilespmem:s21+$0x5A00] =	vst v0  }
0x28c: {  	v0 =	vld [tilespmem:s30+$0x10];
	_ =	sdelay $0x4  }
0x28d: {  	v0 =	vadd.s32 s20, v0  }
0x28e: {  	[tilespmem:s21+$0x5A10] =	vst v0  }
0x28f: {  	v0 =	vld [tilespmem:s30+$0x20];
	_ =	sdelay $0x4  }
0x290: {  	v0 =	vadd.s32 s20, v0  }
0x291: {  	[tilespmem:s21+$0x5A20] =	vst v0  }
0x292: {  	v0 =	vld [tilespmem:s30+$0x30];
	_ =	sdelay $0x4  }
0x293: {  	v0 =	vadd.s32 s20, v0  }
0x294: {  	[tilespmem:s21+$0x5A30] =	vst v0  }
0x295: {  	v0 =	vld [tilespmem:s30+$0x40];
	_ =	sdelay $0x4  }
0x296: {  	v0 =	vadd.s32 s20, v0  }
0x297: {  	[tilespmem:s21+$0x5A40] =	vst v0  }
0x298: {  	v0 =	vld [tilespmem:s30+$0x50];
	_ =	sdelay $0x4  }
0x299: {  	v0 =	vadd.s32 s20, v0  }
0x29a: {  	[tilespmem:s21+$0x5A50] =	vst v0  }
0x29b: {  	v0 =	vld [tilespmem:s30+$0x60];
	_ =	sdelay $0x4  }
0x29c: {  	v0 =	vadd.s32 s20, v0  }
0x29d: {  	[tilespmem:s21+$0x5A60] =	vst v0  }
0x29e: {  	v0 =	vld [tilespmem:s30+$0x70];
	_ =	sdelay $0x4  }
0x29f: {  	v0 =	vadd.s32 s20, v0  }
0x2a0: {  	[tilespmem:s21+$0x5A70] =	vst v0  }
0x2a1: {  	v0 =	vld [tilespmem:s30+$0x400];
	_ =	sdelay $0x4  }
0x2a2: {  	v0 =	vadd.s32 s20, v0  }
0x2a3: {  	[tilespmem:s21+$0x5A80] =	vst v0  }
0x2a4: {  	v0 =	vld [tilespmem:s30+$0x410];
	_ =	sdelay $0x4  }
0x2a5: {  	v0 =	vadd.s32 s20, v0  }
0x2a6: {  	[tilespmem:s21+$0x5A90] =	vst v0  }
0x2a7: {  	v0 =	vld [tilespmem:s30+$0x420];
	_ =	sdelay $0x4  }
0x2a8: {  	v0 =	vadd.s32 s20, v0  }
0x2a9: {  	[tilespmem:s21+$0x5AA0] =	vst v0  }
0x2aa: {  	v0 =	vld [tilespmem:s30+$0x430];
	_ =	sdelay $0x4  }
0x2ab: {  	v0 =	vadd.s32 s20, v0  }
0x2ac: {  	[tilespmem:s21+$0x5AB0] =	vst v0  }
0x2ad: {  	v0 =	vld [tilespmem:s30+$0x440];
	_ =	sdelay $0x4  }
0x2ae: {  	v0 =	vadd.s32 s20, v0  }
0x2af: {  	[tilespmem:s21+$0x5AC0] =	vst v0  }
0x2b0: {  	v0 =	vld [tilespmem:s30+$0x450];
	_ =	sdelay $0x4  }
0x2b1: {  	v0 =	vadd.s32 s20, v0  }
0x2b2: {  	[tilespmem:s21+$0x5AD0] =	vst v0  }
0x2b3: {  	v0 =	vld [tilespmem:s30+$0x460];
	_ =	sdelay $0x4  }
0x2b4: {  	v0 =	vadd.s32 s20, v0  }
0x2b5: {  	[tilespmem:s21+$0x5AE0] =	vst v0  }
0x2b6: {  	v0 =	vld [tilespmem:s30+$0x470];
	_ =	sdelay $0x4  }
0x2b7: {  	v0 =	vadd.s32 s20, v0  }
0x2b8: {  	[tilespmem:s21+$0x5AF0] =	vst v0  }
0x2b9: {  	v0 =	vld [tilespmem:s30+$0x800];
	_ =	sdelay $0x4  }
0x2ba: {  	v0 =	vadd.s32 s20, v0  }
0x2bb: {  	[tilespmem:s21+$0x5B00] =	vst v0  }
0x2bc: {  	v0 =	vld [tilespmem:s30+$0x810];
	_ =	sdelay $0x4  }
0x2bd: {  	v0 =	vadd.s32 s20, v0  }
0x2be: {  	[tilespmem:s21+$0x5B10] =	vst v0  }
0x2bf: {  	v0 =	vld [tilespmem:s30+$0x820];
	_ =	sdelay $0x4  }
0x2c0: {  	v0 =	vadd.s32 s20, v0  }
0x2c1: {  	[tilespmem:s21+$0x5B20] =	vst v0  }
0x2c2: {  	v0 =	vld [tilespmem:s30+$0x830];
	_ =	sdelay $0x4  }
0x2c3: {  	v0 =	vadd.s32 s20, v0  }
0x2c4: {  	[tilespmem:s21+$0x5B30] =	vst v0  }
0x2c5: {  	v0 =	vld [tilespmem:s30+$0x840];
	_ =	sdelay $0x4  }
0x2c6: {  	v0 =	vadd.s32 s20, v0  }
0x2c7: {  	[tilespmem:s21+$0x5B40] =	vst v0  }
0x2c8: {  	v0 =	vld [tilespmem:s30+$0x850];
	_ =	sdelay $0x4  }
0x2c9: {  	v0 =	vadd.s32 s20, v0  }
0x2ca: {  	[tilespmem:s21+$0x5B50] =	vst v0  }
0x2cb: {  	v0 =	vld [tilespmem:s30+$0x860];
	_ =	sdelay $0x4  }
0x2cc: {  	v0 =	vadd.s32 s20, v0  }
0x2cd: {  	[tilespmem:s21+$0x5B60] =	vst v0  }
0x2ce: {  	v0 =	vld [tilespmem:s30+$0x870];
	_ =	sdelay $0x4  }
0x2cf: {  	v0 =	vadd.s32 s20, v0  }
0x2d0: {  	[tilespmem:s21+$0x5B70] =	vst v0  }
0x2d1: {  	v0 =	vld [tilespmem:s30+$0xC00];
	_ =	sdelay $0x4  }
0x2d2: {  	v0 =	vadd.s32 s20, v0  }
0x2d3: {  	[tilespmem:s21+$0x5B80] =	vst v0  }
0x2d4: {  	v0 =	vld [tilespmem:s30+$0xC10];
	_ =	sdelay $0x4  }
0x2d5: {  	v0 =	vadd.s32 s20, v0  }
0x2d6: {  	[tilespmem:s21+$0x5B90] =	vst v0  }
0x2d7: {  	v0 =	vld [tilespmem:s30+$0xC20];
	_ =	sdelay $0x4  }
0x2d8: {  	v0 =	vadd.s32 s20, v0  }
0x2d9: {  	[tilespmem:s21+$0x5BA0] =	vst v0  }
0x2da: {  	v0 =	vld [tilespmem:s30+$0xC30];
	_ =	sdelay $0x4  }
0x2db: {  	v0 =	vadd.s32 s20, v0  }
0x2dc: {  	[tilespmem:s21+$0x5BB0] =	vst v0  }
0x2dd: {  	v0 =	vld [tilespmem:s30+$0xC40];
	_ =	sdelay $0x4  }
0x2de: {  	v0 =	vadd.s32 s20, v0  }
0x2df: {  	[tilespmem:s21+$0x5BC0] =	vst v0  }
0x2e0: {  	v0 =	vld [tilespmem:s30+$0xC50];
	_ =	sdelay $0x4  }
0x2e1: {  	v0 =	vadd.s32 s20, v0  }
0x2e2: {  	[tilespmem:s21+$0x5BD0] =	vst v0  }
0x2e3: {  	v0 =	vld [tilespmem:s30+$0xC60];
	_ =	sdelay $0x4  }
0x2e4: {  	v0 =	vadd.s32 s20, v0  }
0x2e5: {  	[tilespmem:s21+$0x5BE0] =	vst v0  }
0x2e6: {  	v0 =	vld [tilespmem:s30+$0xC70];
	_ =	sdelay $0x2  }
0x2e7: {  	s29 =	simm.s32 $0x5A00;
	s22 =	simm.s32 $0x800  }
0x2e8: {  	s28 =	simm.s32 $0x8E00;
	s25 =	simm.s32 $0x1C00;
	s24 =	simm.s32 $0x700  }
0x2e9: {  	s26 =	sand.u32 $0x3000, s25;
	s23 =	simm.s32 $0x1000;
	s1 =	sand.u32 $0x380, s24;
	v0 =	vadd.s32 s20, v0  }
.LBB2_6:
0x2ea: {  	p1 =	sne.s32 s23, $0x6000;
	s26 =	sor.u32 s1, s26;
	[tilespmem:s21+$0x5BF0] =	vst v0;
	s20 =	sadd.s32 $0x963E, s20  }
0x2eb: {  	[tilespmem:s28], [sflag:$0x3] =	stream.indirect.gather [spmem:s2], $0x1, s29, s31, $0xb8;
	[tilespmem:$0x19EA8] =	vst v63  }
0x2ec: {  	s1 =	smov.u32 s23;
	s23 =	sadd.s32 $0x800, s23;
	v0 =	vld [tilespmem:s26+$0x0];
	_ =	sdelay $0x4  }
0x2ed: {  	s21 =	sshra.s32 s22, $0x2;
	s22 =	smov.u32 s1;
	v0 =	vadd.s32 s20, v0  }
0x2ee: {  	[tilespmem:s21+$0x5A00] =	vst v0  }
0x2ef: {  	v0 =	vld [tilespmem:s26+$0x10];
	_ =	sdelay $0x4  }
0x2f0: {  	v0 =	vadd.s32 s20, v0  }
0x2f1: {  	[tilespmem:s21+$0x5A10] =	vst v0  }
0x2f2: {  	v0 =	vld [tilespmem:s26+$0x20];
	_ =	sdelay $0x4  }
0x2f3: {  	v0 =	vadd.s32 s20, v0  }
0x2f4: {  	[tilespmem:s21+$0x5A20] =	vst v0  }
0x2f5: {  	v0 =	vld [tilespmem:s26+$0x30];
	_ =	sdelay $0x4  }
0x2f6: {  	v0 =	vadd.s32 s20, v0  }
0x2f7: {  	[tilespmem:s21+$0x5A30] =	vst v0  }
0x2f8: {  	v0 =	vld [tilespmem:s26+$0x40];
	_ =	sdelay $0x4  }
0x2f9: {  	v0 =	vadd.s32 s20, v0  }
0x2fa: {  	[tilespmem:s21+$0x5A40] =	vst v0  }
0x2fb: {  	v0 =	vld [tilespmem:s26+$0x50];
	_ =	sdelay $0x4  }
0x2fc: {  	v0 =	vadd.s32 s20, v0  }
0x2fd: {  	[tilespmem:s21+$0x5A50] =	vst v0  }
0x2fe: {  	v0 =	vld [tilespmem:s26+$0x60];
	_ =	sdelay $0x4  }
0x2ff: {  	v0 =	vadd.s32 s20, v0  }
0x300: {  	[tilespmem:s21+$0x5A60] =	vst v0  }
0x301: {  	v0 =	vld [tilespmem:s26+$0x70];
	_ =	sdelay $0x4  }
0x302: {  	v0 =	vadd.s32 s20, v0  }
0x303: {  	[tilespmem:s21+$0x5A70] =	vst v0  }
0x304: {  	v0 =	vld [tilespmem:s26+$0x400];
	_ =	sdelay $0x4  }
0x305: {  	v0 =	vadd.s32 s20, v0  }
0x306: {  	[tilespmem:s21+$0x5A80] =	vst v0  }
0x307: {  	v0 =	vld [tilespmem:s26+$0x410];
	_ =	sdelay $0x4  }
0x308: {  	v0 =	vadd.s32 s20, v0  }
0x309: {  	[tilespmem:s21+$0x5A90] =	vst v0  }
0x30a: {  	v0 =	vld [tilespmem:s26+$0x420];
	_ =	sdelay $0x4  }
0x30b: {  	v0 =	vadd.s32 s20, v0  }
0x30c: {  	[tilespmem:s21+$0x5AA0] =	vst v0  }
0x30d: {  	v0 =	vld [tilespmem:s26+$0x430];
	_ =	sdelay $0x4  }
0x30e: {  	v0 =	vadd.s32 s20, v0  }
0x30f: {  	[tilespmem:s21+$0x5AB0] =	vst v0  }
0x310: {  	v0 =	vld [tilespmem:s26+$0x440];
	_ =	sdelay $0x4  }
0x311: {  	v0 =	vadd.s32 s20, v0  }
0x312: {  	[tilespmem:s21+$0x5AC0] =	vst v0  }
0x313: {  	v0 =	vld [tilespmem:s26+$0x450];
	_ =	sdelay $0x4  }
0x314: {  	v0 =	vadd.s32 s20, v0  }
0x315: {  	[tilespmem:s21+$0x5AD0] =	vst v0  }
0x316: {  	v0 =	vld [tilespmem:s26+$0x460];
	_ =	sdelay $0x4  }
0x317: {  	v0 =	vadd.s32 s20, v0  }
0x318: {  	[tilespmem:s21+$0x5AE0] =	vst v0  }
0x319: {  	v0 =	vld [tilespmem:s26+$0x470];
	_ =	sdelay $0x4  }
0x31a: {  	v0 =	vadd.s32 s20, v0  }
0x31b: {  	[tilespmem:s21+$0x5AF0] =	vst v0  }
0x31c: {  	v0 =	vld [tilespmem:s26+$0x800];
	_ =	sdelay $0x4  }
0x31d: {  	v0 =	vadd.s32 s20, v0  }
0x31e: {  	[tilespmem:s21+$0x5B00] =	vst v0  }
0x31f: {  	v0 =	vld [tilespmem:s26+$0x810];
	_ =	sdelay $0x4  }
0x320: {  	v0 =	vadd.s32 s20, v0  }
0x321: {  	[tilespmem:s21+$0x5B10] =	vst v0  }
0x322: {  	v0 =	vld [tilespmem:s26+$0x820];
	_ =	sdelay $0x4  }
0x323: {  	v0 =	vadd.s32 s20, v0  }
0x324: {  	[tilespmem:s21+$0x5B20] =	vst v0  }
0x325: {  	v0 =	vld [tilespmem:s26+$0x830];
	_ =	sdelay $0x4  }
0x326: {  	v0 =	vadd.s32 s20, v0  }
0x327: {  	[tilespmem:s21+$0x5B30] =	vst v0  }
0x328: {  	v0 =	vld [tilespmem:s26+$0x840];
	_ =	sdelay $0x4  }
0x329: {  	v0 =	vadd.s32 s20, v0  }
0x32a: {  	[tilespmem:s21+$0x5B40] =	vst v0  }
0x32b: {  	v0 =	vld [tilespmem:s26+$0x850];
	_ =	sdelay $0x4  }
0x32c: {  	v0 =	vadd.s32 s20, v0  }
0x32d: {  	[tilespmem:s21+$0x5B50] =	vst v0  }
0x32e: {  	v0 =	vld [tilespmem:s26+$0x860];
	_ =	sdelay $0x4  }
0x32f: {  	v0 =	vadd.s32 s20, v0  }
0x330: {  	[tilespmem:s21+$0x5B60] =	vst v0  }
0x331: {  	v0 =	vld [tilespmem:s26+$0x870];
	_ =	sdelay $0x4  }
0x332: {  	v0 =	vadd.s32 s20, v0  }
0x333: {  	[tilespmem:s21+$0x5B70] =	vst v0  }
0x334: {  	v0 =	vld [tilespmem:s26+$0xC00];
	_ =	sdelay $0x4  }
0x335: {  	v0 =	vadd.s32 s20, v0  }
0x336: {  	[tilespmem:s21+$0x5B80] =	vst v0  }
0x337: {  	v0 =	vld [tilespmem:s26+$0xC10];
	_ =	sdelay $0x4  }
0x338: {  	v0 =	vadd.s32 s20, v0  }
0x339: {  	[tilespmem:s21+$0x5B90] =	vst v0  }
0x33a: {  	v0 =	vld [tilespmem:s26+$0xC20];
	_ =	sdelay $0x4  }
0x33b: {  	v0 =	vadd.s32 s20, v0  }
0x33c: {  	[tilespmem:s21+$0x5BA0] =	vst v0  }
0x33d: {  	v0 =	vld [tilespmem:s26+$0xC30];
	_ =	sdelay $0x4  }
0x33e: {  	v0 =	vadd.s32 s20, v0  }
0x33f: {  	[tilespmem:s21+$0x5BB0] =	vst v0  }
0x340: {  	v0 =	vld [tilespmem:s26+$0xC40];
	_ =	sdelay $0x4  }
0x341: {  	v0 =	vadd.s32 s20, v0  }
0x342: {  	[tilespmem:s21+$0x5BC0] =	vst v0  }
0x343: {  	v0 =	vld [tilespmem:s26+$0xC50];
	_ =	sdelay $0x4  }
0x344: {  	v0 =	vadd.s32 s20, v0  }
0x345: {  	[tilespmem:s21+$0x5BD0] =	vst v0  }
0x346: {  	v0 =	vld [tilespmem:s26+$0xC60];
	_ =	sdelay $0x4  }
0x347: {  	v0 =	vadd.s32 s20, v0  }
0x348: {  	[tilespmem:s21+$0x5BE0] =	vst v0  }
0x349: {  	v0 =	vld [tilespmem:s26+$0xC70]  }
.Ltmp2:
0x34a: {  	(pc) =	sbr.rel @p1 .LBB2_6-.Ltmp2, $3  }
0x34b: {  	_ =	sdelay $0x1  }
0x34c: {  	s24 =	sadd.s32 $0x80, s24;
	s25 =	sadd.s32 $0x200, s25;
	s28 =	sadd.s32 $0x8E00, s21  }
0x34d: {  	s1 =	sand.u32 $0x380, s24;
	s29 =	sadd.s32 $0x5A00, s21;
	s26 =	sand.u32 $0x3000, s25;
	v0 =	vadd.s32 s20, v0  }
0x34e: {  	s23 =	sor.u32 s1, s26;
	[tilespmem:s21+$0x5BF0] =	vst v0  }
0x34f: {  	[tilespmem:s28], [sflag:$0x3] =	stream.indirect.gather [spmem:s2], $0x1, s29, s31, $0xb8;
	[tilespmem:$0x19EA8] =	vst v63  }
0x350: {  	v0 =	vld [tilespmem:s23+$0x0];
	_ =	sdelay $0x3  }
0x351: {  	s20 =	sadd.s32 $0x963E, s20  }
0x352: {  	s24 =	sshra.s32 s22, $0x2;
	v0 =	vadd.s32 s20, v0  }
0x353: {  	[tilespmem:s24+$0x5A00] =	vst v0  }
0x354: {  	v0 =	vld [tilespmem:s23+$0x10];
	_ =	sdelay $0x4  }
0x355: {  	v0 =	vadd.s32 s20, v0  }
0x356: {  	[tilespmem:s24+$0x5A10] =	vst v0  }
0x357: {  	v0 =	vld [tilespmem:s23+$0x20];
	_ =	sdelay $0x4  }
0x358: {  	v0 =	vadd.s32 s20, v0  }
0x359: {  	[tilespmem:s24+$0x5A20] =	vst v0  }
0x35a: {  	v0 =	vld [tilespmem:s23+$0x30];
	_ =	sdelay $0x4  }
0x35b: {  	v0 =	vadd.s32 s20, v0  }
0x35c: {  	[tilespmem:s24+$0x5A30] =	vst v0  }
0x35d: {  	v0 =	vld [tilespmem:s23+$0x40];
	_ =	sdelay $0x4  }
0x35e: {  	v0 =	vadd.s32 s20, v0  }
0x35f: {  	[tilespmem:s24+$0x5A40] =	vst v0  }
0x360: {  	v0 =	vld [tilespmem:s23+$0x50];
	_ =	sdelay $0x4  }
0x361: {  	v0 =	vadd.s32 s20, v0  }
0x362: {  	[tilespmem:s24+$0x5A50] =	vst v0  }
0x363: {  	v0 =	vld [tilespmem:s23+$0x60];
	_ =	sdelay $0x4  }
0x364: {  	v0 =	vadd.s32 s20, v0  }
0x365: {  	[tilespmem:s24+$0x5A60] =	vst v0  }
0x366: {  	v0 =	vld [tilespmem:s23+$0x70];
	_ =	sdelay $0x4  }
0x367: {  	v0 =	vadd.s32 s20, v0  }
0x368: {  	[tilespmem:s24+$0x5A70] =	vst v0  }
0x369: {  	v0 =	vld [tilespmem:s23+$0x400];
	_ =	sdelay $0x4  }
0x36a: {  	v0 =	vadd.s32 s20, v0  }
0x36b: {  	[tilespmem:s24+$0x5A80] =	vst v0  }
0x36c: {  	v0 =	vld [tilespmem:s23+$0x410];
	_ =	sdelay $0x4  }
0x36d: {  	v0 =	vadd.s32 s20, v0  }
0x36e: {  	[tilespmem:s24+$0x5A90] =	vst v0  }
0x36f: {  	v0 =	vld [tilespmem:s23+$0x420];
	_ =	sdelay $0x4  }
0x370: {  	v0 =	vadd.s32 s20, v0  }
0x371: {  	[tilespmem:s24+$0x5AA0] =	vst v0  }
0x372: {  	v0 =	vld [tilespmem:s23+$0x430];
	_ =	sdelay $0x4  }
0x373: {  	v0 =	vadd.s32 s20, v0  }
0x374: {  	[tilespmem:s24+$0x5AB0] =	vst v0  }
0x375: {  	v0 =	vld [tilespmem:s23+$0x440];
	_ =	sdelay $0x4  }
0x376: {  	v0 =	vadd.s32 s20, v0  }
0x377: {  	[tilespmem:s24+$0x5AC0] =	vst v0  }
0x378: {  	v0 =	vld [tilespmem:s23+$0x450];
	_ =	sdelay $0x4  }
0x379: {  	v0 =	vadd.s32 s20, v0  }
0x37a: {  	[tilespmem:s24+$0x5AD0] =	vst v0  }
0x37b: {  	v0 =	vld [tilespmem:s23+$0x460];
	_ =	sdelay $0x4  }
0x37c: {  	v0 =	vadd.s32 s20, v0  }
0x37d: {  	[tilespmem:s24+$0x5AE0] =	vst v0  }
0x37e: {  	v0 =	vld [tilespmem:s23+$0x470];
	_ =	sdelay $0x4  }
0x37f: {  	v0 =	vadd.s32 s20, v0  }
0x380: {  	[tilespmem:s24+$0x5AF0] =	vst v0  }
0x381: {  	v0 =	vld [tilespmem:s23+$0x800];
	_ =	sdelay $0x4  }
0x382: {  	v0 =	vadd.s32 s20, v0  }
0x383: {  	[tilespmem:s24+$0x5B00] =	vst v0  }
0x384: {  	v0 =	vld [tilespmem:s23+$0x810];
	_ =	sdelay $0x4  }
0x385: {  	v0 =	vadd.s32 s20, v0  }
0x386: {  	[tilespmem:s24+$0x5B10] =	vst v0  }
0x387: {  	v0 =	vld [tilespmem:s23+$0x820];
	_ =	sdelay $0x4  }
0x388: {  	v0 =	vadd.s32 s20, v0  }
0x389: {  	[tilespmem:s24+$0x5B20] =	vst v0  }
0x38a: {  	v0 =	vld [tilespmem:s23+$0x830];
	_ =	sdelay $0x4  }
0x38b: {  	v0 =	vadd.s32 s20, v0  }
0x38c: {  	[tilespmem:s24+$0x5B30] =	vst v0  }
0x38d: {  	v0 =	vld [tilespmem:s23+$0x840];
	_ =	sdelay $0x4  }
0x38e: {  	v0 =	vadd.s32 s20, v0  }
0x38f: {  	[tilespmem:s24+$0x5B40] =	vst v0  }
0x390: {  	v0 =	vld [tilespmem:s23+$0x850];
	_ =	sdelay $0x4  }
0x391: {  	v0 =	vadd.s32 s20, v0  }
0x392: {  	[tilespmem:s24+$0x5B50] =	vst v0  }
0x393: {  	v0 =	vld [tilespmem:s23+$0x860];
	_ =	sdelay $0x4  }
0x394: {  	v0 =	vadd.s32 s20, v0  }
0x395: {  	[tilespmem:s24+$0x5B60] =	vst v0  }
0x396: {  	v0 =	vld [tilespmem:s23+$0x870];
	_ =	sdelay $0x4  }
0x397: {  	v0 =	vadd.s32 s20, v0  }
0x398: {  	[tilespmem:s24+$0x5B70] =	vst v0  }
0x399: {  	v0 =	vld [tilespmem:s23+$0xC00];
	_ =	sdelay $0x4  }
0x39a: {  	v0 =	vadd.s32 s20, v0  }
0x39b: {  	[tilespmem:s24+$0x5B80] =	vst v0  }
0x39c: {  	v0 =	vld [tilespmem:s23+$0xC10];
	_ =	sdelay $0x4  }
0x39d: {  	v0 =	vadd.s32 s20, v0  }
0x39e: {  	[tilespmem:s24+$0x5B90] =	vst v0  }
0x39f: {  	v0 =	vld [tilespmem:s23+$0xC20];
	_ =	sdelay $0x4  }
0x3a0: {  	v0 =	vadd.s32 s20, v0  }
0x3a1: {  	[tilespmem:s24+$0x5BA0] =	vst v0  }
0x3a2: {  	v0 =	vld [tilespmem:s23+$0xC30];
	_ =	sdelay $0x4  }
0x3a3: {  	v0 =	vadd.s32 s20, v0  }
0x3a4: {  	[tilespmem:s24+$0x5BB0] =	vst v0  }
0x3a5: {  	v0 =	vld [tilespmem:s23+$0xC40];
	_ =	sdelay $0x4  }
0x3a6: {  	v0 =	vadd.s32 s20, v0  }
0x3a7: {  	[tilespmem:s24+$0x5BC0] =	vst v0  }
0x3a8: {  	v0 =	vld [tilespmem:s23+$0xC50];
	_ =	sdelay $0x4  }
0x3a9: {  	v0 =	vadd.s32 s20, v0  }
0x3aa: {  	[tilespmem:s24+$0x5BD0] =	vst v0  }
0x3ab: {  	v0 =	vld [tilespmem:s23+$0xC60];
	_ =	sdelay $0x4  }
0x3ac: {  	v0 =	vadd.s32 s20, v0  }
0x3ad: {  	[tilespmem:s24+$0x5BE0] =	vst v0  }
0x3ae: {  	v0 =	vld [tilespmem:s23+$0xC70];
	_ =	sdelay $0x4  }
0x3af: {  	v0 =	vadd.s32 s20, v0  }
0x3b0: {  	s25 =	sadd.s32 $0x8E00, s24;
	s26 =	sadd.s32 $0x5A00, s24;
	[tilespmem:s24+$0x5BF0] =	vst v0  }
0x3b1: {  	[tilespmem:s25], [sflag:$0x3] =	stream.indirect.gather [spmem:s2], $0x1, s26, s31, $0xb8;
	[tilespmem:$0x19EA8] =	vst v63  }
0x3b2: {  	v0 =	vld [tilespmem:$0xAA00]  }
0x3b3: {  	_ =	swait.ge [sflag:s0], $0x1A00  }
0x3b4: {  	[sflag:s0] =	ssyncset.done $0x0  }
0x3b5: {  	s28 =	simm.s32 $0x7400;
	[sflag:s0] =	ssyncadd.s32 $0xFFFFE600  }
0x3b6: {  	s29 =	simm.s32 $0x0;
	v1 =	vld [tilespmem:s28+$0x0]  }
0x3b7: {  	s30 =	sand.u32 $0x1F0, s29;
	v0 =	vadd.f32 $0.0e+00, v0  }
0x3b8: {  	v2 =	vld [tilespmem:s30+$0x7600]  }
0x3b9: {  	v0 =	vbroadcast v0, $0x0  }
0x3ba: {  	v3 =	vld [tilespmem:s30+$0x7800]  }
0x3bb: {  	v1 =	vadd.f32 v1, v0  }
0x3bc: {  	v4 =	vld [tilespmem:s30+$0x7A00]  }
0x3bd: {  	v1 =	vadd.f32 v2, v1  }
0x3be: {  	v2 =	vld [tilespmem:s30+$0x7C00]  }
0x3bf: {  	v1 =	vadd.f32 v3, v1  }
0x3c0: {  	v3 =	vld [tilespmem:s30+$0x7E00]  }
0x3c1: {  	v1 =	vadd.f32 v4, v1  }
0x3c2: {  	v61 =	vld [tilespmem:s30+$0x8000]  }
0x3c3: {  	v1 =	vadd.f32 v2, v1  }
0x3c4: {  	v2 =	vld [tilespmem:s30+$0x8200]  }
0x3c5: {  	v1 =	vadd.f32 v3, v1  }
0x3c6: {  	v3 =	vld [tilespmem:s30+$0x8400]  }
0x3c7: {  	v1 =	vadd.f32 v61, v1  }
0x3c8: {  	v62 =	vld [tilespmem:s30+$0x8600]  }
0x3c9: {  	v1 =	vadd.f32 v2, v1  }
0x3ca: {  	v2 =	vld [tilespmem:s30+$0x8800]  }
0x3cb: {  	v1 =	vadd.f32 v3, v1  }
0x3cc: {  	v3 =	vld [tilespmem:s30+$0x8A00]  }
0x3cd: {  	v1 =	vadd.f32 v62, v1  }
0x3ce: {  	v63 =	vld [tilespmem:s30+$0x8C00]  }
0x3cf: {  	v1 =	vadd.f32 v2, v1;
	_ =	sdelay $0x1  }
0x3d0: {  	v1 =	vadd.f32 v3, v1;
	_ =	sdelay $0x1  }
0x3d1: {  	v1 =	vadd.f32 v63, v1  }
0x3d2: {  	s20 =	simm.s32 $0xA800  }
0x3d3: {  	s21 =	simm.s32 $0x7410;
	[tilespmem:s20+$0x0] =	vst v1  }
0x3d4: {  	s22 =	simm.s32 $0x10;
	s23 =	simm.s32 $0x20;
	v1 =	vld [tilespmem:s21+$0x0]  }
.LBB2_8:
0x3d5: {  	p1 =	sne.s32 s23, $0x1F0;
	s1 =	sand.u32 $0x1F0, s22;
	s22 =	smov.u32 s23  }
0x3d6: {  	v2 =	vld [tilespmem:s1+$0x7600];
	_ =	sdelay $0x1  }
0x3d7: {  	v3 =	vld [tilespmem:s1+$0x7800]  }
0x3d8: {  	v1 =	vadd.f32 v1, v0  }
0x3d9: {  	v4 =	vld [tilespmem:s1+$0x7A00]  }
0x3da: {  	v1 =	vadd.f32 v2, v1  }
0x3db: {  	v2 =	vld [tilespmem:s1+$0x7C00]  }
0x3dc: {  	v1 =	vadd.f32 v3, v1  }
0x3dd: {  	v3 =	vld [tilespmem:s1+$0x7E00]  }
0x3de: {  	v1 =	vadd.f32 v4, v1  }
0x3df: {  	v4 =	vld [tilespmem:s1+$0x8000]  }
0x3e0: {  	v1 =	vadd.f32 v2, v1  }
0x3e1: {  	v2 =	vld [tilespmem:s1+$0x8200]  }
0x3e2: {  	v1 =	vadd.f32 v3, v1  }
0x3e3: {  	v3 =	vld [tilespmem:s1+$0x8400]  }
0x3e4: {  	v1 =	vadd.f32 v4, v1  }
0x3e5: {  	v4 =	vld [tilespmem:s1+$0x8600]  }
0x3e6: {  	v1 =	vadd.f32 v2, v1  }
0x3e7: {  	v2 =	vld [tilespmem:s1+$0x8800]  }
0x3e8: {  	v1 =	vadd.f32 v3, v1  }
0x3e9: {  	v3 =	vld [tilespmem:s1+$0x8A00]  }
0x3ea: {  	v1 =	vadd.f32 v4, v1  }
0x3eb: {  	v4 =	vld [tilespmem:s1+$0x8C00]  }
0x3ec: {  	v1 =	vadd.f32 v2, v1;
	_ =	sdelay $0x1  }
0x3ed: {  	v1 =	vadd.f32 v3, v1  }
.Ltmp3:
0x3ee: {  	(pc) =	sbr.rel @p1 .LBB2_8-.Ltmp3, $4  }
0x3ef: {  	v1 =	vadd.f32 v4, v1  }
0x3f0: {  	s20 =	sadd.s32 $0x10, s20  }
0x3f1: {  	s21 =	sadd.s32 $0x10, s21;
	[tilespmem:s20+$0x0] =	vst v1  }
0x3f2: {  	s23 =	sadd.s32 $0x10, s23;
	v1 =	vld [tilespmem:s21+$0x0]  }
0x3f3: {  	s1 =	sand.u32 $0x1F0, s22  }
0x3f4: {  	v2 =	vld [tilespmem:s1+$0x7600];
	_ =	sdelay $0x1  }
0x3f5: {  	v3 =	vld [tilespmem:s1+$0x7800]  }
0x3f6: {  	v0 =	vadd.f32 v1, v0  }
0x3f7: {  	v1 =	vld [tilespmem:s1+$0x7A00]  }
0x3f8: {  	v0 =	vadd.f32 v2, v0  }
0x3f9: {  	v2 =	vld [tilespmem:s1+$0x7C00]  }
0x3fa: {  	v0 =	vadd.f32 v3, v0  }
0x3fb: {  	v3 =	vld [tilespmem:s1+$0x7E00]  }
0x3fc: {  	v0 =	vadd.f32 v1, v0  }
0x3fd: {  	v1 =	vld [tilespmem:s1+$0x8000]  }
0x3fe: {  	v0 =	vadd.f32 v2, v0  }
0x3ff: {  	v2 =	vld [tilespmem:s1+$0x8200]  }
0x400: {  	v0 =	vadd.f32 v3, v0  }
0x401: {  	v3 =	vld [tilespmem:s1+$0x8400]  }
0x402: {  	v0 =	vadd.f32 v1, v0  }
0x403: {  	v1 =	vld [tilespmem:s1+$0x8600]  }
0x404: {  	v0 =	vadd.f32 v2, v0  }
0x405: {  	v2 =	vld [tilespmem:s1+$0x8800]  }
0x406: {  	v0 =	vadd.f32 v3, v0  }
0x407: {  	v3 =	vld [tilespmem:s1+$0x8A00]  }
0x408: {  	v0 =	vadd.f32 v1, v0  }
0x409: {  	v1 =	vld [tilespmem:s1+$0x8C00]  }
0x40a: {  	v0 =	vadd.f32 v2, v0;
	_ =	sdelay $0x1  }
0x40b: {  	v0 =	vadd.f32 v3, v0;
	_ =	sdelay $0x1  }
0x40c: {  	v0 =	vadd.f32 v1, v0  }
0x40d: {  	s29 =	sadd.s32 $0x10, s20  }
0x40e: {  	[tilespmem:s29+$0x0] =	vst v0  }
0x40f: {  	_ =	swait.ge [sflag:s3], $0x1A00  }
0x410: {  	s30 =	simm.s32 $0x0;
	[sflag:s3] =	ssyncset.done $0x0  }
0x411: {  	s21 =	sand.u32 $0x1F0, s30;
	[sflag:s3] =	ssyncadd.s32 $0xFFFFE600  }
0x412: {  	s20 =	simm.s32 $0xA800;
	s22 =	simm.s32 $0x10;
	v0 =	vld [tilespmem:s21+$0x8E00]  }
.LBB2_10:
0x413: {  	p1 =	sne.s32 s22, $0x1F0;
	v1 =	vld [tilespmem:s20+$0x0];
	_ =	sdelay $0x1  }
0x414: {  	v2 =	vld [tilespmem:s21+$0x9000];
	_ =	sdelay $0x1  }
0x415: {  	v3 =	vld [tilespmem:s21+$0x9200]  }
0x416: {  	v0 =	vadd.f32 v0, v1  }
0x417: {  	v1 =	vld [tilespmem:s21+$0x9400]  }
0x418: {  	v0 =	vadd.f32 v2, v0  }
0x419: {  	v2 =	vld [tilespmem:s21+$0x9600]  }
0x41a: {  	v0 =	vadd.f32 v3, v0  }
0x41b: {  	v3 =	vld [tilespmem:s21+$0x9800]  }
0x41c: {  	v0 =	vadd.f32 v1, v0  }
0x41d: {  	v1 =	vld [tilespmem:s21+$0x9A00]  }
0x41e: {  	v0 =	vadd.f32 v2, v0  }
0x41f: {  	v2 =	vld [tilespmem:s21+$0x9C00]  }
0x420: {  	v0 =	vadd.f32 v3, v0  }
0x421: {  	v3 =	vld [tilespmem:s21+$0x9E00]  }
0x422: {  	v0 =	vadd.f32 v1, v0  }
0x423: {  	v1 =	vld [tilespmem:s21+$0xA000]  }
0x424: {  	v0 =	vadd.f32 v2, v0  }
0x425: {  	v2 =	vld [tilespmem:s21+$0xA200]  }
0x426: {  	v0 =	vadd.f32 v3, v0  }
0x427: {  	v3 =	vld [tilespmem:s21+$0xA400]  }
0x428: {  	v0 =	vadd.f32 v1, v0  }
0x429: {  	v1 =	vld [tilespmem:s21+$0xA600]  }
0x42a: {  	v0 =	vadd.f32 v2, v0;
	_ =	sdelay $0x1  }
0x42b: {  	v0 =	vadd.f32 v3, v0  }
.Ltmp4:
0x42c: {  	(pc) =	sbr.rel @p1 .LBB2_10-.Ltmp4, $3  }
0x42d: {  	v0 =	vadd.f32 v1, v0;
	_ =	sdelay $0x1  }
0x42e: {  	s21 =	sand.u32 $0x1F0, s22;
	[tilespmem:s20+$0x0] =	vst v0  }
0x42f: {  	s22 =	sadd.s32 $0x10, s22;
	s20 =	sadd.s32 $0x10, s20;
	v0 =	vld [tilespmem:s21+$0x8E00]  }
0x430: {  	v1 =	vld [tilespmem:s20+$0x0];
	_ =	sdelay $0x1  }
0x431: {  	v2 =	vld [tilespmem:s21+$0x9000];
	_ =	sdelay $0x1  }
0x432: {  	v3 =	vld [tilespmem:s21+$0x9200]  }
0x433: {  	v0 =	vadd.f32 v0, v1  }
0x434: {  	v54 =	vld [tilespmem:s21+$0x9400]  }
0x435: {  	v0 =	vadd.f32 v2, v0  }
0x436: {  	v55 =	vld [tilespmem:s21+$0x9600]  }
0x437: {  	v0 =	vadd.f32 v3, v0  }
0x438: {  	v56 =	vld [tilespmem:s21+$0x9800]  }
0x439: {  	v0 =	vadd.f32 v54, v0  }
0x43a: {  	v57 =	vld [tilespmem:s21+$0x9A00]  }
0x43b: {  	v0 =	vadd.f32 v55, v0  }
0x43c: {  	v58 =	vld [tilespmem:s21+$0x9C00]  }
0x43d: {  	v0 =	vadd.f32 v56, v0  }
0x43e: {  	v59 =	vld [tilespmem:s21+$0x9E00]  }
0x43f: {  	v0 =	vadd.f32 v57, v0  }
0x440: {  	v60 =	vld [tilespmem:s21+$0xA000]  }
0x441: {  	v0 =	vadd.f32 v58, v0  }
0x442: {  	v61 =	vld [tilespmem:s21+$0xA200]  }
0x443: {  	v0 =	vadd.f32 v59, v0  }
0x444: {  	v62 =	vld [tilespmem:s21+$0xA400]  }
0x445: {  	v0 =	vadd.f32 v60, v0  }
0x446: {  	v63 =	vld [tilespmem:s21+$0xA600]  }
0x447: {  	v0 =	vadd.f32 v61, v0;
	_ =	sdelay $0x1  }
0x448: {  	v0 =	vadd.f32 v62, v0;
	_ =	sdelay $0x1  }
0x449: {  	s18 =	sadd.s32 $0x1, s18;
	v0 =	vadd.f32 v63, v0  }
0x44a: {  	p1 =	sne.s32 s18, s11  }
.Ltmp5:
0x44b: {  	s1 =	simm.s32 $0xA800;
	[tilespmem:s20+$0x0] =	vst v0;
	(pc) =	sbr.rel @p1 .LBB2_1-.Ltmp5, $4  }
0x44c: {  	[hbm4b:s10+s4] =	stream.linear.scatter [tilespmem:s1], [sflag:$0x5], $0x200, $0x38;
	[tilespmem:$0x19EA8] =	vst v63  }
0x44d: {  	_ =	swait.ge [sflag:s19], $0x200  }
0x44e: {  	[sflag:s19] =	ssyncset.done $0x0  }
0x44f: {  	[sflag:s19] =	ssyncadd.s32 $0xFFFFFE00  }
0x450: {  	_ =	sfence.sel $0x180000  }
0x451: {  	[bflag:$0x0] =	sbarrier.arrive $0xFFFF  }
0x452: {  	_ =	strace $0x90000047  }
0x453: {  	s0 =	stileid.u32;
	[bflag:$0x2] =	sbarrier.arrive $0xFFFF  }
0x454: {  	p0 =	sne.s32 s0, $0x0;
	s0 =	rddreg [dreg:$0x5]  }
0x455: {  	s0 =	sadd.s32 @!p0 $0x100000, s0  }
0x456: {  	[sflag:s0] =	ssyncadd.tile.s32 @!p0 $0x1;
	_ =	shalt  }
.Lfunc_end2:
_tile_overlayer_lowered:
.L_overlay_start_2:
0x457: {  	(tag) =	ssettag $0x2  }
0x458: {  	s0 =	rddreg [dreg:$0x0];
	s2 =	stileid.u32  }
0x459: {  	s1 =	rddreg [dreg:$0x1];
	p0 =	sne.s32 s2, $0x0  }
0x45a: {  	s3 =	rddreg [dreg:$0x2];
	[bflag:$0x3] =	sbarrier.arrive $0xFFFF;
	s2 =	simm.s32 @!p0 $0x1C05  }
0x45b: {  	[timem:s3], [sflag:s2] =	dma.local @!p0 [hbm:s0], s1  }
0x45c: {  	s0 =	simm.s32 @!p0 $0x5  }
0x45d: {  	_ =	swait.ge @!p0 [sflag:s0], s1  }
0x45e: {  	s1 =	ssub.s32 @!p0 $0x0, s1;
	[sflag:s0] =	ssyncset.done @!p0 $0x0  }
0x45f: {  	[sflag:s0] =	ssyncadd.s32 @!p0 s1  }
0x460: {  	[bflag:$0x3] =	sbarrier.arrive $0xFFFF  }
0x461: {  	_ =	shalt  }

</sc_bundles>
